<compile_context>
chip_gen: v7x
topology: tpu7x:2x2x1
jax: 0.10.2.dev20260603
libtpu: 0.0.44.dev20260713+nightly
codegen_flags: <defaults>
</compile_context>

<pallas_src>
import functools

import jax
import jax.numpy as jnp
from jax import lax
from jax.experimental import pallas as pl
from jax.experimental.pallas import tpu as pltpu
from jax.experimental.pallas import tpu_sc as plsc

E = 64
TOPK = 8
ROW_BLK = 1024
S1_BLK = 1024
NUM_SC_WORKERS = 32
LANES = 16


def _row_std(sm):
    mu = jnp.mean(sm, axis=1, keepdims=True)
    d = sm - mu
    return jnp.sqrt(jnp.sum(d * d, axis=1, keepdims=True) * (1.0 / (E - 1)))


def _stage1_body(x_ref, wt_ref, b_ref, sm_ref, ssum_ref):
    logits = jnp.dot(x_ref[...], wt_ref[...],
                     preferred_element_type=jnp.float32) + b_ref[...]
    m = jnp.max(logits, axis=1, keepdims=True)
    e = jnp.exp(logits - m)
    sm = e / jnp.sum(e, axis=1, keepdims=True)
    sm_ref[...] = sm
    ssum_ref[0, 0, 0] = jnp.sum(_row_std(sm))


def _stage2_body(n_rows, nsum, sm_ref, thr_ref, ssum0_ref, ssum1_ref,
                 buf_ref, out_ref):
    del buf_ref
    total = ssum0_ref[0, 0, 0]
    for j in range(1, nsum):
        total = total + ssum0_ref[j, 0, 0]
    for j in range(nsum):
        total = total + ssum1_ref[j, 0, 0]
    mean_std = total * (1.0 / n_rows)
    sm = sm_ref[:, :E]
    thr = thr_ref[:, :E]
    alpha = mean_std / (_row_std(sm) + 1e-6)
    mask = sm < thr
    f = jnp.where(mask, jnp.log(sm + 1.0), jnp.exp(sm) - 1.0)
    g = alpha * f
    m = jnp.max(g, axis=1, keepdims=True)
    eg = jnp.exp(g - m)
    out_ref[...] = eg / jnp.sum(eg, axis=1, keepdims=True)


def _sortd(v):
    s, _ = plsc.sort_key_val(v, v, descending=True)
    return s


def _sc_thresh_body(rows_per_tile, sm_hbm, thr_hbm, sm_v, thr_v):
    wid = lax.axis_index("s") * 2 + lax.axis_index("c")
    base = wid * rows_per_tile
    pltpu.sync_copy(sm_hbm.at[pl.ds(base, rows_per_tile)], sm_v)
    iota = lax.broadcasted_iota(jnp.int32, (LANES,), 0)
    lane7 = iota == 7
    neg_inf = jnp.full((LANES,), -jnp.inf, jnp.float32)

    def row_step(r, carry):
        parts = [_sortd(sm_v[r, pl.ds(c * LANES, LANES)]) for c in range(4)]
        t01 = _sortd(jnp.maximum(parts[0], lax.rev(parts[1], (0,))))
        t23 = _sortd(jnp.maximum(parts[2], lax.rev(parts[3], (0,))))
        tt = _sortd(jnp.maximum(t01, lax.rev(t23, (0,))))
        thr = jnp.max(jnp.where(lane7, tt, neg_inf))
        bvec = jnp.full((LANES,), thr, jnp.float32)
        for c in range(4):
            thr_v[r, pl.ds(c * LANES, LANES)] = bvec
        return carry

    lax.fori_loop(0, rows_per_tile, row_step, 0)
    pltpu.sync_copy(thr_v, thr_hbm.at[pl.ds(base, rows_per_tile)])


def _sc_thresholds(sm):
    n = sm.shape[0]
    rows_per_tile = n // NUM_SC_WORKERS
    mesh = plsc.VectorSubcoreMesh(core_axis_name="c", subcore_axis_name="s")
    k = pl.kernel(
        functools.partial(_sc_thresh_body, rows_per_tile),
        out_type=jax.ShapeDtypeStruct((n, E), jnp.float32),
        mesh=mesh,
        scratch_types=[
            pltpu.VMEM((rows_per_tile, E), jnp.float32),
            pltpu.VMEM((rows_per_tile, E), jnp.float32),
        ],
        compiler_params=pltpu.CompilerParams(
            needs_layout_passes=False, use_tc_tiling_on_sc=True),
    )
    return k(sm)


def _stage1_call(x, wt, b2, h, half):
    n, d = x.shape
    ns1 = half // S1_BLK
    return pl.pallas_call(
        _stage1_body,
        grid=(ns1,),
        in_specs=[
            pl.BlockSpec((S1_BLK, d), lambda i: (i + h * ns1, 0)),
            pl.BlockSpec((d, E), lambda i: (0, 0)),
            pl.BlockSpec((1, E), lambda i: (0, 0)),
        ],
        out_specs=[
            pl.BlockSpec((S1_BLK, E), lambda i: (i, 0)),
            pl.BlockSpec((1, 1, 1), lambda i: (i, 0, 0),
                         memory_space=pltpu.SMEM),
        ],
        out_shape=[
            jax.ShapeDtypeStruct((half, E), jnp.float32),
            jax.ShapeDtypeStruct((ns1, 1, 1), jnp.float32),
        ],
        compiler_params=pltpu.CompilerParams(
            dimension_semantics=("arbitrary",)),
    )(x, wt, b2)


def kernel(x, W_gate, b_gate):
    n, d = x.shape
    nblk = n // ROW_BLK
    nh = nblk // 2
    wt = W_gate.T
    b2 = b_gate.reshape(1, E)

    half = n // 2
    sm0, ssum0 = _stage1_call(x, wt, b2, 0, half)
    sm1, ssum1 = _stage1_call(x, wt, b2, 1, half)
    thr0 = _sc_thresholds(sm0)
    thr1 = _sc_thresholds(sm1)

    def stage2_half(h, sm_h, thr_h, buf):
        return pl.pallas_call(
            functools.partial(_stage2_body, n, half // S1_BLK),
            grid=(nh,),
            in_specs=[
                pl.BlockSpec((ROW_BLK, E), lambda i: (i, 0)),
                pl.BlockSpec((ROW_BLK, E), lambda i: (i, 0)),
                pl.BlockSpec(memory_space=pltpu.SMEM),
                pl.BlockSpec(memory_space=pltpu.SMEM),
                pl.BlockSpec(memory_space=pl.ANY),
            ],
            out_specs=pl.BlockSpec((ROW_BLK, E), lambda i: (i + h * nh, 0)),
            out_shape=jax.ShapeDtypeStruct((n, E), jnp.float32),
            input_output_aliases={4: 0},
            compiler_params=pltpu.CompilerParams(
                dimension_semantics=("arbitrary",)),
        )(sm_h, thr_h, ssum0, ssum1, buf)

    buf = jnp.zeros((n, E), jnp.float32)
    buf = stage2_half(0, sm0, thr0, buf)
    gates = stage2_half(1, sm1, thr1, buf)
    return gates

# --- scband reference (transcript-rebuilt; emitter-appended) ---
"""Pipeline reference for scband-top-kgating-47038481825968 (READ-ONLY COPY).

The authoritative reference and input builder live on the scoring server;
editing this copy changes nothing except your own understanding.
"""

import jax, jax.numpy as jnp
import numpy as np

NUM_EXPERTS = 64
TOP_K = 8
INPUT_DIM = 2048
BASE_ALPHA = 1.0


def setup_inputs(seed: int = 0) -> dict:
    key = jax.random.key(seed)
    k_x, k_w, k_b = jax.random.split(key, 3)
    x = jax.random.normal(k_x, (8192, INPUT_DIM), dtype=jnp.float32)
    # nn.Linear(input_dim, num_experts): weight [E, D], bias [E]
    bound = 1.0 / np.sqrt(INPUT_DIM)
    W_gate = jax.random.uniform(k_w, (NUM_EXPERTS, INPUT_DIM), dtype=jnp.float32, minval=-bound, maxval=bound)
    b_gate = jax.random.uniform(k_b, (NUM_EXPERTS,), dtype=jnp.float32, minval=-bound, maxval=bound)
    return {"x": x, "W_gate": W_gate, "b_gate": b_gate}


def reference(x, W_gate, b_gate):
    # Eval-mode forward (self.training == False): no noise branch, w_noise unused.
    logits = x @ W_gate.T + b_gate  # [N, E]
    E = NUM_EXPERTS
    # torch.kthvalue(logits, E - top_k + 1) along last dim == (E - top_k)-th element of ascending sort
    kth_largest = jnp.sort(logits, axis=1)[:, E - TOP_K]  # [N]
    mask = logits < kth_largest[:, None]  # True for non-top-k entries
    sm = jax.nn.softmax(logits, axis=1)
    # adaptive_alpha: torch.std uses unbiased estimator (ddof=1)
    std = jnp.std(sm, axis=1, keepdims=True, ddof=1)  # [N, 1]
    alpha = BASE_ALPHA * (jnp.mean(std) / (std + 1e-06))  # [N, 1], broadcast over experts
    out = jnp.where(mask, alpha * jnp.log(sm + 1.0), alpha * (jnp.exp(sm) - 1.0))
    gates = jax.nn.softmax(out, axis=1)
    return gates

if __name__ == "__main__":
    import jax
    _d = setup_inputs()
    print(jax.jit(kernel)(*tuple(_d.values())))

</pallas_src>

<mosaic_0001>
#map = affine_map<(d0, d1) -> (0, 0)>
module attributes {stable_mosaic.version = 14 : i64} {
  func.func @_sc_thresh_body(%arg0: i32, %arg1: i32, %arg2: memref<4096x64xf32, #tpu.memory_space<hbm>>, %arg3: memref<4096x64xf32, #tpu.memory_space<hbm>>, %arg4: memref<128x64xf32, #tpu.memory_space<vmem>>, %arg5: memref<128x64xf32, #tpu.memory_space<vmem>>) attributes {dimension_semantics = [#tpu.dimension_semantics<core_parallel>, #tpu.dimension_semantics<subcore_parallel>], iteration_bounds = array<i64: 2, 16>, scalar_prefetch = 0 : i64, scratch_operands = 2 : i64, tpu.core_type = #tpu.core_type<sc_vector_subcore>, window_params = [{transform_indices = #map}, {transform_indices = #map}]} {
    %mul3A = arith.constant 2 : i32
    %mul3A_0 = arith.muli %arg1, %mul3A : i32
    %add3A = arith.addi %mul3A_0, %arg0 : i32
    %mul3A_1 = arith.constant 128 : i32
    %mul3A_2 = arith.muli %add3A, %mul3A_1 : i32
    "tpu.region"() ({
      %run_scoped3A = tpu.sem_alloc : memref<!tpu.dma_semaphore, #tpu.memory_space<semaphore_mem>>
      %dma_start3A = arith.constant 0 : i32
      %dma_start3A_11 = tpu.memref_slice %arg2[%mul3A_2, %dma_start3A] : memref<4096x64xf32, #tpu.memory_space<hbm>> -> memref<128x64xf32, #tpu.memory_space<hbm>>
      %dma_start3A_12 = arith.constant 0 : i32
      %dma_start3A_13 = tpu.memref_slice %arg2[%mul3A_2, %dma_start3A_12] : memref<4096x64xf32, #tpu.memory_space<hbm>> -> memref<128x64xf32, #tpu.memory_space<hbm>>
      tpu.enqueue_dma source(%dma_start3A_13 : memref<128x64xf32, #tpu.memory_space<hbm>>) target(%arg4 : memref<128x64xf32, #tpu.memory_space<vmem>>) target_semaphore(%run_scoped3A : memref<!tpu.dma_semaphore, #tpu.memory_space<semaphore_mem>>)
      %dma_wait3A = arith.constant 0 : i32
      %dma_wait3A_14 = tpu.memref_slice %arg2[%mul3A_2, %dma_wait3A] : memref<4096x64xf32, #tpu.memory_space<hbm>> -> memref<128x64xf32, #tpu.memory_space<hbm>>
      %dma_wait3A_15 = arith.constant 0 : i32
      %dma_wait3A_16 = tpu.memref_slice %arg2[%mul3A_2, %dma_wait3A_15] : memref<4096x64xf32, #tpu.memory_space<hbm>> -> memref<128x64xf32, #tpu.memory_space<hbm>>
      tpu.wait_dma2 semaphore(%run_scoped3A : memref<!tpu.dma_semaphore, #tpu.memory_space<semaphore_mem>>) src(%dma_wait3A_16 : memref<128x64xf32, #tpu.memory_space<hbm>>) dst(%arg4 : memref<128x64xf32, #tpu.memory_space<vmem>>)
      tpu.yield
    }) : () -> ()
    %iota3A = tpu.iota {dimensions = array<i32: 0>} : vector<16xi32>
    %eq3A = arith.constant 7 : i32
    %eq3A_3 = vector.broadcast %eq3A : i32 to vector<16xi32>
    %eq3A_4 = arith.cmpi eq, %iota3A, %eq3A_3 : vector<16xi32>
    %broadcast_in_dim3A = arith.constant 0xFF800000 : f32
    %broadcast_in_dim3A_5 = vector.broadcast %broadcast_in_dim3A : f32 to vector<16xf32>
    %scan3A = arith.constant 0 : i32
    %scan3A_6 = arith.constant 0 : i32
    %scan3A_7 = arith.constant 128 : i32
    %scan3A_8 = arith.addi %scan3A_6, %scan3A_7 : i32
    %scan3A_9 = arith.constant 1 : i32
    scf.for %scan3A_11 = %scan3A_6 to %scan3A_8 step %scan3A_9  : i32 {
      %get3A = arith.index_cast %scan3A_11 : i32 to index
      %get3A_12 = arith.constant 0 : index
      %get3A_13 = tpu.vector_load %arg4[%get3A, %get3A_12] {strides = array<i32>} : memref<128x64xf32, #tpu.memory_space<vmem>>, vector<16xf32>,
      %masked_sort3A = arith.constant dense<true> : vector<16xi1>
      %masked_sort3A_14, %masked_sort3A_15, %masked_sort3A_16 = tpu.sort %get3A_13, %get3A_13 masked %masked_sort3A {descending = true} : (vector<16xf32>, vector<16xf32>, vector<16xi1>) -> (vector<16xi1>, vector<16xf32>, vector<16xf32>)
      %get3A_17 = arith.index_cast %scan3A_11 : i32 to index
      %get3A_18 = arith.constant 16 : index
      %get3A_19 = tpu.vector_load %arg4[%get3A_17, %get3A_18] {strides = array<i32>} : memref<128x64xf32, #tpu.memory_space<vmem>>, vector<16xf32>,
      %masked_sort3A_20 = arith.constant dense<true> : vector<16xi1>
      %masked_sort3A_21, %masked_sort3A_22, %masked_sort3A_23 = tpu.sort %get3A_19, %get3A_19 masked %masked_sort3A_20 {descending = true} : (vector<16xf32>, vector<16xf32>, vector<16xi1>) -> (vector<16xi1>, vector<16xf32>, vector<16xf32>)
      %get3A_24 = arith.index_cast %scan3A_11 : i32 to index
      %get3A_25 = arith.constant 32 : index
      %get3A_26 = tpu.vector_load %arg4[%get3A_24, %get3A_25] {strides = array<i32>} : memref<128x64xf32, #tpu.memory_space<vmem>>, vector<16xf32>,
      %masked_sort3A_27 = arith.constant dense<true> : vector<16xi1>
      %masked_sort3A_28, %masked_sort3A_29, %masked_sort3A_30 = tpu.sort %get3A_26, %get3A_26 masked %masked_sort3A_27 {descending = true} : (vector<16xf32>, vector<16xf32>, vector<16xi1>) -> (vector<16xi1>, vector<16xf32>, vector<16xf32>)
      %get3A_31 = arith.index_cast %scan3A_11 : i32 to index
      %get3A_32 = arith.constant 48 : index
      %get3A_33 = tpu.vector_load %arg4[%get3A_31, %get3A_32] {strides = array<i32>} : memref<128x64xf32, #tpu.memory_space<vmem>>, vector<16xf32>,
      %masked_sort3A_34 = arith.constant dense<true> : vector<16xi1>
      %masked_sort3A_35, %masked_sort3A_36, %masked_sort3A_37 = tpu.sort %get3A_33, %get3A_33 masked %masked_sort3A_34 {descending = true} : (vector<16xf32>, vector<16xf32>, vector<16xi1>) -> (vector<16xi1>, vector<16xf32>, vector<16xf32>)
      %rev3A = arith.constant 15 : i32
      %rev3A_38 = vector.broadcast %rev3A : i32 to vector<16xi32>
      %rev3A_39 = tpu.iota {dimensions = array<i32: 0>} : vector<16xi32>
      %rev3A_40 = arith.subi %rev3A_38, %rev3A_39 : vector<16xi32>
      %rev3A_41 = tpu.dynamic_gather %masked_sort3A_22[%rev3A_40] in [0] : vector<16xf32>, vector<16xi32> -> vector<16xf32>
      %max3A = arith.maximumf %masked_sort3A_15, %rev3A_41 : vector<16xf32>
      %masked_sort3A_42 = arith.constant dense<true> : vector<16xi1>
      %masked_sort3A_43, %masked_sort3A_44, %masked_sort3A_45 = tpu.sort %max3A, %max3A masked %masked_sort3A_42 {descending = true} : (vector<16xf32>, vector<16xf32>, vector<16xi1>) -> (vector<16xi1>, vector<16xf32>, vector<16xf32>)
      %rev3A_46 = arith.constant 15 : i32
      %rev3A_47 = vector.broadcast %rev3A_46 : i32 to vector<16xi32>
      %rev3A_48 = tpu.iota {dimensions = array<i32: 0>} : vector<16xi32>
      %rev3A_49 = arith.subi %rev3A_47, %rev3A_48 : vector<16xi32>
      %rev3A_50 = tpu.dynamic_gather %masked_sort3A_36[%rev3A_49] in [0] : vector<16xf32>, vector<16xi32> -> vector<16xf32>
      %max3A_51 = arith.maximumf %masked_sort3A_29, %rev3A_50 : vector<16xf32>
      %masked_sort3A_52 = arith.constant dense<true> : vector<16xi1>
      %masked_sort3A_53, %masked_sort3A_54, %masked_sort3A_55 = tpu.sort %max3A_51, %max3A_51 masked %masked_sort3A_52 {descending = true} : (vector<16xf32>, vector<16xf32>, vector<16xi1>) -> (vector<16xi1>, vector<16xf32>, vector<16xf32>)
      %rev3A_56 = arith.constant 15 : i32
      %rev3A_57 = vector.broadcast %rev3A_56 : i32 to vector<16xi32>
      %rev3A_58 = tpu.iota {dimensions = array<i32: 0>} : vector<16xi32>
      %rev3A_59 = arith.subi %rev3A_57, %rev3A_58 : vector<16xi32>
      %rev3A_60 = tpu.dynamic_gather %masked_sort3A_54[%rev3A_59] in [0] : vector<16xf32>, vector<16xi32> -> vector<16xf32>
      %max3A_61 = arith.maximumf %masked_sort3A_44, %rev3A_60 : vector<16xf32>
      %masked_sort3A_62 = arith.constant dense<true> : vector<16xi1>
      %masked_sort3A_63, %masked_sort3A_64, %masked_sort3A_65 = tpu.sort %max3A_61, %max3A_61 masked %masked_sort3A_62 {descending = true} : (vector<16xf32>, vector<16xf32>, vector<16xi1>) -> (vector<16xi1>, vector<16xf32>, vector<16xf32>)
      %select_n3A = arith.select %eq3A_4, %masked_sort3A_64, %broadcast_in_dim3A_5 : vector<16xi1>, vector<16xf32>
      %reduce_max3A = arith.constant true
      %reduce_max3A_66 = vector.broadcast %reduce_max3A : i1 to vector<16xi1>
      %reduce_max3A_67 = tpu.scan <max>, %select_n3A masked %reduce_max3A_66 : vector<16xf32>, vector<16xi1> -> vector<16xf32>
      %reduce_max3A_68 = vector.extract %reduce_max3A_67[15] : f32 from vector<16xf32>
      %broadcast_in_dim3A_69 = vector.broadcast %reduce_max3A_68 : f32 to vector<16xf32>
      %swap3A = arith.index_cast %scan3A_11 : i32 to index
      %swap3A_70 = arith.constant 0 : index
      %swap3A_71 = tpu.vector_load %arg5[%swap3A, %swap3A_70] {strides = array<i32>} : memref<128x64xf32, #tpu.memory_space<vmem>>, vector<16xf32>,
      tpu.vector_store %arg5[%swap3A, %swap3A_70], %broadcast_in_dim3A_69 {strides = array<i32>} : memref<128x64xf32, #tpu.memory_space<vmem>>, vector<16xf32>,
      %swap3A_72 = arith.index_cast %scan3A_11 : i32 to index
      %swap3A_73 = arith.constant 16 : index
      %swap3A_74 = tpu.vector_load %arg5[%swap3A_72, %swap3A_73] {strides = array<i32>} : memref<128x64xf32, #tpu.memory_space<vmem>>, vector<16xf32>,
      tpu.vector_store %arg5[%swap3A_72, %swap3A_73], %broadcast_in_dim3A_69 {strides = array<i32>} : memref<128x64xf32, #tpu.memory_space<vmem>>, vector<16xf32>,
      %swap3A_75 = arith.index_cast %scan3A_11 : i32 to index
      %swap3A_76 = arith.constant 32 : index
      %swap3A_77 = tpu.vector_load %arg5[%swap3A_75, %swap3A_76] {strides = array<i32>} : memref<128x64xf32, #tpu.memory_space<vmem>>, vector<16xf32>,
      tpu.vector_store %arg5[%swap3A_75, %swap3A_76], %broadcast_in_dim3A_69 {strides = array<i32>} : memref<128x64xf32, #tpu.memory_space<vmem>>, vector<16xf32>,
      %swap3A_78 = arith.index_cast %scan3A_11 : i32 to index
      %swap3A_79 = arith.constant 48 : index
      %swap3A_80 = tpu.vector_load %arg5[%swap3A_78, %swap3A_79] {strides = array<i32>} : memref<128x64xf32, #tpu.memory_space<vmem>>, vector<16xf32>,
      tpu.vector_store %arg5[%swap3A_78, %swap3A_79], %broadcast_in_dim3A_69 {strides = array<i32>} : memref<128x64xf32, #tpu.memory_space<vmem>>, vector<16xf32>,
    }
    %scan3A_10 = arith.constant 128 : i32
    "tpu.region"() ({
      %run_scoped3A = tpu.sem_alloc : memref<!tpu.dma_semaphore, #tpu.memory_space<semaphore_mem>>
      %dma_start3A = arith.constant 0 : i32
      %dma_start3A_11 = tpu.memref_slice %arg3[%mul3A_2, %dma_start3A] : memref<4096x64xf32, #tpu.memory_space<hbm>> -> memref<128x64xf32, #tpu.memory_space<hbm>>
      %dma_start3A_12 = arith.constant 0 : i32
      %dma_start3A_13 = tpu.memref_slice %arg3[%mul3A_2, %dma_start3A_12] : memref<4096x64xf32, #tpu.memory_space<hbm>> -> memref<128x64xf32, #tpu.memory_space<hbm>>
      tpu.enqueue_dma source(%arg5 : memref<128x64xf32, #tpu.memory_space<vmem>>) target(%dma_start3A_13 : memref<128x64xf32, #tpu.memory_space<hbm>>) target_semaphore(%run_scoped3A : memref<!tpu.dma_semaphore, #tpu.memory_space<semaphore_mem>>)
      %dma_wait3A = arith.constant 0 : i32
      %dma_wait3A_14 = tpu.memref_slice %arg3[%mul3A_2, %dma_wait3A] : memref<4096x64xf32, #tpu.memory_space<hbm>> -> memref<128x64xf32, #tpu.memory_space<hbm>>
      %dma_wait3A_15 = arith.constant 0 : i32
      %dma_wait3A_16 = tpu.memref_slice %arg3[%mul3A_2, %dma_wait3A_15] : memref<4096x64xf32, #tpu.memory_space<hbm>> -> memref<128x64xf32, #tpu.memory_space<hbm>>
      tpu.wait_dma2 semaphore(%run_scoped3A : memref<!tpu.dma_semaphore, #tpu.memory_space<semaphore_mem>>) src(%arg5 : memref<128x64xf32, #tpu.memory_space<vmem>>) dst(%dma_wait3A_16 : memref<128x64xf32, #tpu.memory_space<hbm>>)
      tpu.yield
    }) : () -> ()
    return
  }
}

#map = affine_map<(d0, d1) -> (0, 0)>
module attributes {stable_mosaic.version = 14 : i64} {
  func.func @_sc_thresh_body(%arg0: i32, %arg1: i32, %arg2: memref<4096x64xf32, #tpu.memory_space<hbm>>, %arg3: memref<4096x64xf32, #tpu.memory_space<hbm>>, %arg4: memref<128x64xf32, #tpu.memory_space<vmem>>, %arg5: memref<128x64xf32, #tpu.memory_space<vmem>>) attributes {dimension_semantics = [#tpu.dimension_semantics<core_parallel>, #tpu.dimension_semantics<subcore_parallel>], iteration_bounds = array<i64: 2, 16>, scalar_prefetch = 0 : i64, scratch_operands = 2 : i64, tpu.core_type = #tpu.core_type<sc_vector_subcore>, window_params = [{transform_indices = #map}, {transform_indices = #map}]} {
    %mul3A = arith.constant 2 : i32
    %mul3A_0 = arith.muli %arg1, %mul3A : i32
    %add3A = arith.addi %mul3A_0, %arg0 : i32
    %mul3A_1 = arith.constant 128 : i32
    %mul3A_2 = arith.muli %add3A, %mul3A_1 : i32
    "tpu.region"() ({
      %run_scoped3A = tpu.sem_alloc : memref<!tpu.dma_semaphore, #tpu.memory_space<semaphore_mem>>
      %dma_start3A = arith.constant 0 : i32
      %dma_start3A_11 = tpu.memref_slice %arg2[%mul3A_2, %dma_start3A] : memref<4096x64xf32, #tpu.memory_space<hbm>> -> memref<128x64xf32, #tpu.memory_space<hbm>>
      %dma_start3A_12 = arith.constant 0 : i32
      %dma_start3A_13 = tpu.memref_slice %arg2[%mul3A_2, %dma_start3A_12] : memref<4096x64xf32, #tpu.memory_space<hbm>> -> memref<128x64xf32, #tpu.memory_space<hbm>>
      tpu.enqueue_dma source(%dma_start3A_13 : memref<128x64xf32, #tpu.memory_space<hbm>>) target(%arg4 : memref<128x64xf32, #tpu.memory_space<vmem>>) target_semaphore(%run_scoped3A : memref<!tpu.dma_semaphore, #tpu.memory_space<semaphore_mem>>)
      %dma_wait3A = arith.constant 0 : i32
      %dma_wait3A_14 = tpu.memref_slice %arg2[%mul3A_2, %dma_wait3A] : memref<4096x64xf32, #tpu.memory_space<hbm>> -> memref<128x64xf32, #tpu.memory_space<hbm>>
      %dma_wait3A_15 = arith.constant 0 : i32
      %dma_wait3A_16 = tpu.memref_slice %arg2[%mul3A_2, %dma_wait3A_15] : memref<4096x64xf32, #tpu.memory_space<hbm>> -> memref<128x64xf32, #tpu.memory_space<hbm>>
      tpu.wait_dma2 semaphore(%run_scoped3A : memref<!tpu.dma_semaphore, #tpu.memory_space<semaphore_mem>>) src(%dma_wait3A_16 : memref<128x64xf32, #tpu.memory_space<hbm>>) dst(%arg4 : memref<128x64xf32, #tpu.memory_space<vmem>>)
      tpu.yield
    }) : () -> ()
    %iota3A = tpu.iota {dimensions = array<i32: 0>} : vector<16xi32>
    %eq3A = arith.constant 7 : i32
    %eq3A_3 = vector.broadcast %eq3A : i32 to vector<16xi32>
    %eq3A_4 = arith.cmpi eq, %iota3A, %eq3A_3 : vector<16xi32>
    %broadcast_in_dim3A = arith.constant 0xFF800000 : f32
    %broadcast_in_dim3A_5 = vector.broadcast %broadcast_in_dim3A : f32 to vector<16xf32>
    %scan3A = arith.constant 0 : i32
    %scan3A_6 = arith.constant 0 : i32
    %scan3A_7 = arith.constant 128 : i32
    %scan3A_8 = arith.addi %scan3A_6, %scan3A_7 : i32
    %scan3A_9 = arith.constant 1 : i32
    scf.for %scan3A_11 = %scan3A_6 to %scan3A_8 step %scan3A_9  : i32 {
      %get3A = arith.index_cast %scan3A_11 : i32 to index
      %get3A_12 = arith.constant 0 : index
      %get3A_13 = tpu.vector_load %arg4[%get3A, %get3A_12] {strides = array<i32>} : memref<128x64xf32, #tpu.memory_space<vmem>>, vector<16xf32>,
      %masked_sort3A = arith.constant dense<true> : vector<16xi1>
      %masked_sort3A_14, %masked_sort3A_15, %masked_sort3A_16 = tpu.sort %get3A_13, %get3A_13 masked %masked_sort3A {descending = true} : (vector<16xf32>, vector<16xf32>, vector<16xi1>) -> (vector<16xi1>, vector<16xf32>, vector<16xf32>)
      %get3A_17 = arith.index_cast %scan3A_11 : i32 to index
      %get3A_18 = arith.constant 16 : index
      %get3A_19 = tpu.vector_load %arg4[%get3A_17, %get3A_18] {strides = array<i32>} : memref<128x64xf32, #tpu.memory_space<vmem>>, vector<16xf32>,
      %masked_sort3A_20 = arith.constant dense<true> : vector<16xi1>
      %masked_sort3A_21, %masked_sort3A_22, %masked_sort3A_23 = tpu.sort %get3A_19, %get3A_19 masked %masked_sort3A_20 {descending = true} : (vector<16xf32>, vector<16xf32>, vector<16xi1>) -> (vector<16xi1>, vector<16xf32>, vector<16xf32>)
      %get3A_24 = arith.index_cast %scan3A_11 : i32 to index
      %get3A_25 = arith.constant 32 : index
      %get3A_26 = tpu.vector_load %arg4[%get3A_24, %get3A_25] {strides = array<i32>} : memref<128x64xf32, #tpu.memory_space<vmem>>, vector<16xf32>,
      %masked_sort3A_27 = arith.constant dense<true> : vector<16xi1>
      %masked_sort3A_28, %masked_sort3A_29, %masked_sort3A_30 = tpu.sort %get3A_26, %get3A_26 masked %masked_sort3A_27 {descending = true} : (vector<16xf32>, vector<16xf32>, vector<16xi1>) -> (vector<16xi1>, vector<16xf32>, vector<16xf32>)
      %get3A_31 = arith.index_cast %scan3A_11 : i32 to index
      %get3A_32 = arith.constant 48 : index
      %get3A_33 = tpu.vector_load %arg4[%get3A_31, %get3A_32] {strides = array<i32>} : memref<128x64xf32, #tpu.memory_space<vmem>>, vector<16xf32>,
      %masked_sort3A_34 = arith.constant dense<true> : vector<16xi1>
      %masked_sort3A_35, %masked_sort3A_36, %masked_sort3A_37 = tpu.sort %get3A_33, %get3A_33 masked %masked_sort3A_34 {descending = true} : (vector<16xf32>, vector<16xf32>, vector<16xi1>) -> (vector<16xi1>, vector<16xf32>, vector<16xf32>)
      %rev3A = arith.constant 15 : i32
      %rev3A_38 = vector.broadcast %rev3A : i32 to vector<16xi32>
      %rev3A_39 = tpu.iota {dimensions = array<i32: 0>} : vector<16xi32>
      %rev3A_40 = arith.subi %rev3A_38, %rev3A_39 : vector<16xi32>
      %rev3A_41 = tpu.dynamic_gather %masked_sort3A_22[%rev3A_40] in [0] : vector<16xf32>, vector<16xi32> -> vector<16xf32>
      %max3A = arith.maximumf %masked_sort3A_15, %rev3A_41 : vector<16xf32>
      %masked_sort3A_42 = arith.constant dense<true> : vector<16xi1>
      %masked_sort3A_43, %masked_sort3A_44, %masked_sort3A_45 = tpu.sort %max3A, %max3A masked %masked_sort3A_42 {descending = true} : (vector<16xf32>, vector<16xf32>, vector<16xi1>) -> (vector<16xi1>, vector<16xf32>, vector<16xf32>)
      %rev3A_46 = arith.constant 15 : i32
      %rev3A_47 = vector.broadcast %rev3A_46 : i32 to vector<16xi32>
      %rev3A_48 = tpu.iota {dimensions = array<i32: 0>} : vector<16xi32>
      %rev3A_49 = arith.subi %rev3A_47, %rev3A_48 : vector<16xi32>
      %rev3A_50 = tpu.dynamic_gather %masked_sort3A_36[%rev3A_49] in [0] : vector<16xf32>, vector<16xi32> -> vector<16xf32>
      %max3A_51 = arith.maximumf %masked_sort3A_29, %rev3A_50 : vector<16xf32>
      %masked_sort3A_52 = arith.constant dense<true> : vector<16xi1>
      %masked_sort3A_53, %masked_sort3A_54, %masked_sort3A_55 = tpu.sort %max3A_51, %max3A_51 masked %masked_sort3A_52 {descending = true} : (vector<16xf32>, vector<16xf32>, vector<16xi1>) -> (vector<16xi1>, vector<16xf32>, vector<16xf32>)
      %rev3A_56 = arith.constant 15 : i32
      %rev3A_57 = vector.broadcast %rev3A_56 : i32 to vector<16xi32>
      %rev3A_58 = tpu.iota {dimensions = array<i32: 0>} : vector<16xi32>
      %rev3A_59 = arith.subi %rev3A_57, %rev3A_58 : vector<16xi32>
      %rev3A_60 = tpu.dynamic_gather %masked_sort3A_54[%rev3A_59] in [0] : vector<16xf32>, vector<16xi32> -> vector<16xf32>
      %max3A_61 = arith.maximumf %masked_sort3A_44, %rev3A_60 : vector<16xf32>
      %masked_sort3A_62 = arith.constant dense<true> : vector<16xi1>
      %masked_sort3A_63, %masked_sort3A_64, %masked_sort3A_65 = tpu.sort %max3A_61, %max3A_61 masked %masked_sort3A_62 {descending = true} : (vector<16xf32>, vector<16xf32>, vector<16xi1>) -> (vector<16xi1>, vector<16xf32>, vector<16xf32>)
      %select_n3A = arith.select %eq3A_4, %masked_sort3A_64, %broadcast_in_dim3A_5 : vector<16xi1>, vector<16xf32>
      %reduce_max3A = arith.constant true
      %reduce_max3A_66 = vector.broadcast %reduce_max3A : i1 to vector<16xi1>
      %reduce_max3A_67 = tpu.scan <max>, %select_n3A masked %reduce_max3A_66 : vector<16xf32>, vector<16xi1> -> vector<16xf32>
      %reduce_max3A_68 = vector.extract %reduce_max3A_67[15] : f32 from vector<16xf32>
      %broadcast_in_dim3A_69 = vector.broadcast %reduce_max3A_68 : f32 to vector<16xf32>
      %swap3A = arith.index_cast %scan3A_11 : i32 to index
      %swap3A_70 = arith.constant 0 : index
      %swap3A_71 = tpu.vector_load %arg5[%swap3A, %swap3A_70] {strides = array<i32>} : memref<128x64xf32, #tpu.memory_space<vmem>>, vector<16xf32>,
      tpu.vector_store %arg5[%swap3A, %swap3A_70], %broadcast_in_dim3A_69 {strides = array<i32>} : memref<128x64xf32, #tpu.memory_space<vmem>>, vector<16xf32>,
      %swap3A_72 = arith.index_cast %scan3A_11 : i32 to index
      %swap3A_73 = arith.constant 16 : index
      %swap3A_74 = tpu.vector_load %arg5[%swap3A_72, %swap3A_73] {strides = array<i32>} : memref<128x64xf32, #tpu.memory_space<vmem>>, vector<16xf32>,
      tpu.vector_store %arg5[%swap3A_72, %swap3A_73], %broadcast_in_dim3A_69 {strides = array<i32>} : memref<128x64xf32, #tpu.memory_space<vmem>>, vector<16xf32>,
      %swap3A_75 = arith.index_cast %scan3A_11 : i32 to index
      %swap3A_76 = arith.constant 32 : index
      %swap3A_77 = tpu.vector_load %arg5[%swap3A_75, %swap3A_76] {strides = array<i32>} : memref<128x64xf32, #tpu.memory_space<vmem>>, vector<16xf32>,
      tpu.vector_store %arg5[%swap3A_75, %swap3A_76], %broadcast_in_dim3A_69 {strides = array<i32>} : memref<128x64xf32, #tpu.memory_space<vmem>>, vector<16xf32>,
      %swap3A_78 = arith.index_cast %scan3A_11 : i32 to index
      %swap3A_79 = arith.constant 48 : index
      %swap3A_80 = tpu.vector_load %arg5[%swap3A_78, %swap3A_79] {strides = array<i32>} : memref<128x64xf32, #tpu.memory_space<vmem>>, vector<16xf32>,
      tpu.vector_store %arg5[%swap3A_78, %swap3A_79], %broadcast_in_dim3A_69 {strides = array<i32>} : memref<128x64xf32, #tpu.memory_space<vmem>>, vector<16xf32>,
    }
    %scan3A_10 = arith.constant 128 : i32
    "tpu.region"() ({
      %run_scoped3A = tpu.sem_alloc : memref<!tpu.dma_semaphore, #tpu.memory_space<semaphore_mem>>
      %dma_start3A = arith.constant 0 : i32
      %dma_start3A_11 = tpu.memref_slice %arg3[%mul3A_2, %dma_start3A] : memref<4096x64xf32, #tpu.memory_space<hbm>> -> memref<128x64xf32, #tpu.memory_space<hbm>>
      %dma_start3A_12 = arith.constant 0 : i32
      %dma_start3A_13 = tpu.memref_slice %arg3[%mul3A_2, %dma_start3A_12] : memref<4096x64xf32, #tpu.memory_space<hbm>> -> memref<128x64xf32, #tpu.memory_space<hbm>>
      tpu.enqueue_dma source(%arg5 : memref<128x64xf32, #tpu.memory_space<vmem>>) target(%dma_start3A_13 : memref<128x64xf32, #tpu.memory_space<hbm>>) target_semaphore(%run_scoped3A : memref<!tpu.dma_semaphore, #tpu.memory_space<semaphore_mem>>)
      %dma_wait3A = arith.constant 0 : i32
      %dma_wait3A_14 = tpu.memref_slice %arg3[%mul3A_2, %dma_wait3A] : memref<4096x64xf32, #tpu.memory_space<hbm>> -> memref<128x64xf32, #tpu.memory_space<hbm>>
      %dma_wait3A_15 = arith.constant 0 : i32
      %dma_wait3A_16 = tpu.memref_slice %arg3[%mul3A_2, %dma_wait3A_15] : memref<4096x64xf32, #tpu.memory_space<hbm>> -> memref<128x64xf32, #tpu.memory_space<hbm>>
      tpu.wait_dma2 semaphore(%run_scoped3A : memref<!tpu.dma_semaphore, #tpu.memory_space<semaphore_mem>>) src(%arg5 : memref<128x64xf32, #tpu.memory_space<vmem>>) dst(%dma_wait3A_16 : memref<128x64xf32, #tpu.memory_space<hbm>>)
      tpu.yield
    }) : () -> ()
    return
  }
}

module attributes {stable_mosaic.version = 14 : i64} {
  func.func @_stage1_body(%arg0: i32, %arg1: memref<1024x2048xf32, #tpu.memory_space<vmem>>, %arg2: memref<2048x64xf32, #tpu.memory_space<vmem>>, %arg3: memref<1x64xf32, #tpu.memory_space<vmem>>, %arg4: memref<1024x64xf32, #tpu.memory_space<vmem>>, %arg5: memref<1x1x1xf32, #tpu.memory_space<smem>>) attributes {dimension_semantics = [#tpu.dimension_semantics<arbitrary>], iteration_bounds = array<i64: 4>, scalar_prefetch = 0 : i64, scratch_operands = 0 : i64, tpu.core_type = #tpu.core_type<tc>, window_params = [{transform_indices = @transform_0, window_bounds = array<i64: 1024, 2048>}, {pipeline_mode = #tpu.pipeline_mode<synchronous>, transform_indices = @transform_1, window_bounds = array<i64: 2048, 64>}, {pipeline_mode = #tpu.pipeline_mode<synchronous>, transform_indices = @transform_2, window_bounds = array<i64: 1, 64>}, {transform_indices = @transform_3, window_bounds = array<i64: 1024, 64>}, {transform_indices = @transform_4, window_bounds = array<i64: 1, 1, 1>}]} {
    %get3A = arith.constant 0 : index
    %get3A_0 = arith.constant 0 : index
    %get3A_1 = vector.load %arg1[%get3A, %get3A_0] : memref<1024x2048xf32, #tpu.memory_space<vmem>>, vector<1024x2048xf32>
    %get3A_2 = arith.constant 0 : index
    %get3A_3 = arith.constant 0 : index
    %get3A_4 = vector.load %arg2[%get3A_2, %get3A_3] : memref<2048x64xf32, #tpu.memory_space<vmem>>, vector<2048x64xf32>
    %dot_general3A = arith.constant dense<0.000000e+00> : vector<1024x64xf32>
    %dot_general3A_5 = tpu.matmul %get3A_1, %get3A_4, %dot_general3A {dimension_numbers = #tpu.dot_dimension_numbers<[1], [0], [0], [1], [0, 0, 1, 1], [], []>, transpose_lhs_hint = false} : vector<1024x2048xf32>, vector<2048x64xf32>, vector<1024x64xf32> -> vector<1024x64xf32>
    %get3A_6 = arith.constant 0 : index
    %get3A_7 = arith.constant 0 : index
    %get3A_8 = vector.load %arg3[%get3A_6, %get3A_7] : memref<1x64xf32, #tpu.memory_space<vmem>>, vector<1x64xf32>
    %add3A = vector.broadcast %get3A_8 : vector<1x64xf32> to vector<1024x64xf32>
    %add3A_9 = arith.addf %dot_general3A_5, %add3A : vector<1024x64xf32>
    %reduce_max3A = arith.constant dense<0xFF800000> : vector<1024xf32>
    %reduce_max3A_10 = vector.multi_reduction <maximumf>, %add3A_9, %reduce_max3A [1] : vector<1024x64xf32> to vector<1024xf32>
    %broadcast_in_dim3A = vector.shape_cast %reduce_max3A_10 : vector<1024xf32> to vector<1024x1xf32>
    %sub3A = vector.broadcast %broadcast_in_dim3A : vector<1024x1xf32> to vector<1024x64xf32>
    %sub3A_11 = arith.subf %add3A_9, %sub3A : vector<1024x64xf32>
    %exp3A = math.exp %sub3A_11 : vector<1024x64xf32>
    %reduce_sum3A = arith.constant dense<0.000000e+00> : vector<1024xf32>
    %reduce_sum3A_12 = vector.multi_reduction <add>, %exp3A, %reduce_sum3A [1] : vector<1024x64xf32> to vector<1024xf32>
    %broadcast_in_dim3A_13 = vector.shape_cast %reduce_sum3A_12 : vector<1024xf32> to vector<1024x1xf32>
    %div3A = vector.broadcast %broadcast_in_dim3A_13 : vector<1024x1xf32> to vector<1024x64xf32>
    %div3A_14 = arith.divf %exp3A, %div3A : vector<1024x64xf32>
    %swap3A = arith.constant 0 : index
    %swap3A_15 = arith.constant 0 : index
    %swap3A_16 = vector.load %arg4[%swap3A, %swap3A_15] : memref<1024x64xf32, #tpu.memory_space<vmem>>, vector<1024x64xf32>
    tpu.vector_store %arg4[%swap3A, %swap3A_15], %div3A_14 {strides = array<i32>} : memref<1024x64xf32, #tpu.memory_space<vmem>>, vector<1024x64xf32>,
    %reduce_sum3A_17 = arith.constant dense<0.000000e+00> : vector<1024xf32>
    %reduce_sum3A_18 = vector.multi_reduction <add>, %div3A_14, %reduce_sum3A_17 [1] : vector<1024x64xf32> to vector<1024xf32>
    %broadcast_in_dim3A_19 = vector.shape_cast %reduce_sum3A_18 : vector<1024xf32> to vector<1024x1xf32>
    %div3A_20 = arith.constant 6.400000e+01 : f32
    %div3A_21 = vector.broadcast %div3A_20 : f32 to vector<1024x1xf32>
    %div3A_22 = arith.divf %broadcast_in_dim3A_19, %div3A_21 : vector<1024x1xf32>
    %sub3A_23 = vector.broadcast %div3A_22 : vector<1024x1xf32> to vector<1024x64xf32>
    %sub3A_24 = arith.subf %div3A_14, %sub3A_23 : vector<1024x64xf32>
    %mul3A = arith.mulf %sub3A_24, %sub3A_24 : vector<1024x64xf32>
    %reduce_sum3A_25 = arith.constant dense<0.000000e+00> : vector<1024xf32>
    %reduce_sum3A_26 = vector.multi_reduction <add>, %mul3A, %reduce_sum3A_25 [1] : vector<1024x64xf32> to vector<1024xf32>
    %broadcast_in_dim3A_27 = vector.shape_cast %reduce_sum3A_26 : vector<1024xf32> to vector<1024x1xf32>
    %mul3A_28 = arith.constant 0.0158730168 : f32
    %mul3A_29 = vector.broadcast %mul3A_28 : f32 to vector<1024x1xf32>
    %mul3A_30 = arith.mulf %broadcast_in_dim3A_27, %mul3A_29 : vector<1024x1xf32>
    %sqrt3A = math.sqrt %mul3A_30 : vector<1024x1xf32>
    %reduce_sum3A_31 = vector.shape_cast %sqrt3A : vector<1024x1xf32> to vector<1x1024x1xf32>
    %reduce_sum3A_32 = arith.constant dense<0.000000e+00> : vector<1xf32>
    %reduce_sum3A_33 = vector.multi_reduction <add>, %reduce_sum3A_31, %reduce_sum3A_32 [1, 2] : vector<1x1024x1xf32> to vector<1xf32>
    %reduce_sum3A_34 = vector.shape_cast %reduce_sum3A_33 : vector<1xf32> to vector<1x1x1xf32>
    %reduce_sum3A_35 = vector.extract %reduce_sum3A_34[0, 0, 0] : f32 from vector<1x1x1xf32>
    %swap3A_36 = arith.constant 0 : index
    %swap3A_37 = arith.constant 0 : index
    %swap3A_38 = arith.constant 0 : index
    %swap3A_39 = memref.load %arg5[%swap3A_36, %swap3A_37, %swap3A_38] : memref<1x1x1xf32, #tpu.memory_space<smem>>
    memref.store %reduce_sum3A_35, %arg5[%swap3A_36, %swap3A_37, %swap3A_38] : memref<1x1x1xf32, #tpu.memory_space<smem>>
    return
  }
  func.func @transform_0(%arg0: i32) -> (i32, i32) {
    %add3A = arith.constant 0 : i32
    %add3A_0 = arith.addi %arg0, %add3A : i32
    %c0_i32 = arith.constant 0 : i32
    %c0_i32_1 = arith.constant 0 : i32
    return %add3A_0, %c0_i32 : i32, i32
  }
  func.func @transform_1(%arg0: i32) -> (i32, i32) {
    %c0_i32 = arith.constant 0 : i32
    %c0_i32_0 = arith.constant 0 : i32
    %c0_i32_1 = arith.constant 0 : i32
    return %c0_i32, %c0_i32_0 : i32, i32
  }
  func.func @transform_2(%arg0: i32) -> (i32, i32) {
    %c0_i32 = arith.constant 0 : i32
    %c0_i32_0 = arith.constant 0 : i32
    %c0_i32_1 = arith.constant 0 : i32
    return %c0_i32, %c0_i32_0 : i32, i32
  }
  func.func @transform_3(%arg0: i32) -> (i32, i32) {
    %c0_i32 = arith.constant 0 : i32
    %c0_i32_0 = arith.constant 0 : i32
    return %arg0, %c0_i32 : i32, i32
  }
  func.func @transform_4(%arg0: i32) -> (i32, i32, i32) {
    %c0_i32 = arith.constant 0 : i32
    %c0_i32_0 = arith.constant 0 : i32
    %c0_i32_1 = arith.constant 0 : i32
    return %arg0, %c0_i32, %c0_i32_0 : i32, i32, i32
  }
}

module attributes {stable_mosaic.version = 14 : i64} {
  func.func @_stage1_body(%arg0: i32, %arg1: memref<1024x2048xf32, #tpu.memory_space<vmem>>, %arg2: memref<2048x64xf32, #tpu.memory_space<vmem>>, %arg3: memref<1x64xf32, #tpu.memory_space<vmem>>, %arg4: memref<1024x64xf32, #tpu.memory_space<vmem>>, %arg5: memref<1x1x1xf32, #tpu.memory_space<smem>>) attributes {dimension_semantics = [#tpu.dimension_semantics<arbitrary>], iteration_bounds = array<i64: 4>, scalar_prefetch = 0 : i64, scratch_operands = 0 : i64, tpu.core_type = #tpu.core_type<tc>, window_params = [{transform_indices = @transform_0, window_bounds = array<i64: 1024, 2048>}, {pipeline_mode = #tpu.pipeline_mode<synchronous>, transform_indices = @transform_1, window_bounds = array<i64: 2048, 64>}, {pipeline_mode = #tpu.pipeline_mode<synchronous>, transform_indices = @transform_2, window_bounds = array<i64: 1, 64>}, {transform_indices = @transform_3, window_bounds = array<i64: 1024, 64>}, {transform_indices = @transform_4, window_bounds = array<i64: 1, 1, 1>}]} {
    %get3A = arith.constant 0 : index
    %get3A_0 = arith.constant 0 : index
    %get3A_1 = vector.load %arg1[%get3A, %get3A_0] : memref<1024x2048xf32, #tpu.memory_space<vmem>>, vector<1024x2048xf32>
    %get3A_2 = arith.constant 0 : index
    %get3A_3 = arith.constant 0 : index
    %get3A_4 = vector.load %arg2[%get3A_2, %get3A_3] : memref<2048x64xf32, #tpu.memory_space<vmem>>, vector<2048x64xf32>
    %dot_general3A = arith.constant dense<0.000000e+00> : vector<1024x64xf32>
    %dot_general3A_5 = tpu.matmul %get3A_1, %get3A_4, %dot_general3A {dimension_numbers = #tpu.dot_dimension_numbers<[1], [0], [0], [1], [0, 0, 1, 1], [], []>, transpose_lhs_hint = false} : vector<1024x2048xf32>, vector<2048x64xf32>, vector<1024x64xf32> -> vector<1024x64xf32>
    %get3A_6 = arith.constant 0 : index
    %get3A_7 = arith.constant 0 : index
    %get3A_8 = vector.load %arg3[%get3A_6, %get3A_7] : memref<1x64xf32, #tpu.memory_space<vmem>>, vector<1x64xf32>
    %add3A = vector.broadcast %get3A_8 : vector<1x64xf32> to vector<1024x64xf32>
    %add3A_9 = arith.addf %dot_general3A_5, %add3A : vector<1024x64xf32>
    %reduce_max3A = arith.constant dense<0xFF800000> : vector<1024xf32>
    %reduce_max3A_10 = vector.multi_reduction <maximumf>, %add3A_9, %reduce_max3A [1] : vector<1024x64xf32> to vector<1024xf32>
    %broadcast_in_dim3A = vector.shape_cast %reduce_max3A_10 : vector<1024xf32> to vector<1024x1xf32>
    %sub3A = vector.broadcast %broadcast_in_dim3A : vector<1024x1xf32> to vector<1024x64xf32>
    %sub3A_11 = arith.subf %add3A_9, %sub3A : vector<1024x64xf32>
    %exp3A = math.exp %sub3A_11 : vector<1024x64xf32>
    %reduce_sum3A = arith.constant dense<0.000000e+00> : vector<1024xf32>
    %reduce_sum3A_12 = vector.multi_reduction <add>, %exp3A, %reduce_sum3A [1] : vector<1024x64xf32> to vector<1024xf32>
    %broadcast_in_dim3A_13 = vector.shape_cast %reduce_sum3A_12 : vector<1024xf32> to vector<1024x1xf32>
    %div3A = vector.broadcast %broadcast_in_dim3A_13 : vector<1024x1xf32> to vector<1024x64xf32>
    %div3A_14 = arith.divf %exp3A, %div3A : vector<1024x64xf32>
    %swap3A = arith.constant 0 : index
    %swap3A_15 = arith.constant 0 : index
    %swap3A_16 = vector.load %arg4[%swap3A, %swap3A_15] : memref<1024x64xf32, #tpu.memory_space<vmem>>, vector<1024x64xf32>
    tpu.vector_store %arg4[%swap3A, %swap3A_15], %div3A_14 {strides = array<i32>} : memref<1024x64xf32, #tpu.memory_space<vmem>>, vector<1024x64xf32>,
    %reduce_sum3A_17 = arith.constant dense<0.000000e+00> : vector<1024xf32>
    %reduce_sum3A_18 = vector.multi_reduction <add>, %div3A_14, %reduce_sum3A_17 [1] : vector<1024x64xf32> to vector<1024xf32>
    %broadcast_in_dim3A_19 = vector.shape_cast %reduce_sum3A_18 : vector<1024xf32> to vector<1024x1xf32>
    %div3A_20 = arith.constant 6.400000e+01 : f32
    %div3A_21 = vector.broadcast %div3A_20 : f32 to vector<1024x1xf32>
    %div3A_22 = arith.divf %broadcast_in_dim3A_19, %div3A_21 : vector<1024x1xf32>
    %sub3A_23 = vector.broadcast %div3A_22 : vector<1024x1xf32> to vector<1024x64xf32>
    %sub3A_24 = arith.subf %div3A_14, %sub3A_23 : vector<1024x64xf32>
    %mul3A = arith.mulf %sub3A_24, %sub3A_24 : vector<1024x64xf32>
    %reduce_sum3A_25 = arith.constant dense<0.000000e+00> : vector<1024xf32>
    %reduce_sum3A_26 = vector.multi_reduction <add>, %mul3A, %reduce_sum3A_25 [1] : vector<1024x64xf32> to vector<1024xf32>
    %broadcast_in_dim3A_27 = vector.shape_cast %reduce_sum3A_26 : vector<1024xf32> to vector<1024x1xf32>
    %mul3A_28 = arith.constant 0.0158730168 : f32
    %mul3A_29 = vector.broadcast %mul3A_28 : f32 to vector<1024x1xf32>
    %mul3A_30 = arith.mulf %broadcast_in_dim3A_27, %mul3A_29 : vector<1024x1xf32>
    %sqrt3A = math.sqrt %mul3A_30 : vector<1024x1xf32>
    %reduce_sum3A_31 = vector.shape_cast %sqrt3A : vector<1024x1xf32> to vector<1x1024x1xf32>
    %reduce_sum3A_32 = arith.constant dense<0.000000e+00> : vector<1xf32>
    %reduce_sum3A_33 = vector.multi_reduction <add>, %reduce_sum3A_31, %reduce_sum3A_32 [1, 2] : vector<1x1024x1xf32> to vector<1xf32>
    %reduce_sum3A_34 = vector.shape_cast %reduce_sum3A_33 : vector<1xf32> to vector<1x1x1xf32>
    %reduce_sum3A_35 = vector.extract %reduce_sum3A_34[0, 0, 0] : f32 from vector<1x1x1xf32>
    %swap3A_36 = arith.constant 0 : index
    %swap3A_37 = arith.constant 0 : index
    %swap3A_38 = arith.constant 0 : index
    %swap3A_39 = memref.load %arg5[%swap3A_36, %swap3A_37, %swap3A_38] : memref<1x1x1xf32, #tpu.memory_space<smem>>
    memref.store %reduce_sum3A_35, %arg5[%swap3A_36, %swap3A_37, %swap3A_38] : memref<1x1x1xf32, #tpu.memory_space<smem>>
    return
  }
  func.func @transform_0(%arg0: i32) -> (i32, i32) {
    %add3A = arith.constant 4 : i32
    %add3A_0 = arith.addi %arg0, %add3A : i32
    %c0_i32 = arith.constant 0 : i32
    %c0_i32_1 = arith.constant 0 : i32
    return %add3A_0, %c0_i32 : i32, i32
  }
  func.func @transform_1(%arg0: i32) -> (i32, i32) {
    %c0_i32 = arith.constant 0 : i32
    %c0_i32_0 = arith.constant 0 : i32
    %c0_i32_1 = arith.constant 0 : i32
    return %c0_i32, %c0_i32_0 : i32, i32
  }
  func.func @transform_2(%arg0: i32) -> (i32, i32) {
    %c0_i32 = arith.constant 0 : i32
    %c0_i32_0 = arith.constant 0 : i32
    %c0_i32_1 = arith.constant 0 : i32
    return %c0_i32, %c0_i32_0 : i32, i32
  }
  func.func @transform_3(%arg0: i32) -> (i32, i32) {
    %c0_i32 = arith.constant 0 : i32
    %c0_i32_0 = arith.constant 0 : i32
    return %arg0, %c0_i32 : i32, i32
  }
  func.func @transform_4(%arg0: i32) -> (i32, i32, i32) {
    %c0_i32 = arith.constant 0 : i32
    %c0_i32_0 = arith.constant 0 : i32
    %c0_i32_1 = arith.constant 0 : i32
    return %arg0, %c0_i32, %c0_i32_0 : i32, i32, i32
  }
}

module attributes {stable_mosaic.version = 14 : i64} {
  func.func @_stage2_body(%arg0: i32, %arg1: memref<1024x64xf32, #tpu.memory_space<vmem>>, %arg2: memref<1024x64xf32, #tpu.memory_space<vmem>>, %arg3: memref<4x1x1xf32, #tpu.memory_space<smem>>, %arg4: memref<4x1x1xf32, #tpu.memory_space<smem>>, %arg5: memref<8192x64xf32, #tpu.memory_space<any>>, %arg6: memref<1024x64xf32, #tpu.memory_space<vmem>>) attributes {dimension_semantics = [#tpu.dimension_semantics<arbitrary>], iteration_bounds = array<i64: 4>, scalar_prefetch = 0 : i64, scratch_operands = 0 : i64, tpu.core_type = #tpu.core_type<tc>, window_params = [{transform_indices = @transform_0, window_bounds = array<i64: 1024, 64>}, {transform_indices = @transform_1, window_bounds = array<i64: 1024, 64>}, {transform_indices = @transform_2, window_bounds = array<i64: 4, 1, 1>}, {transform_indices = @transform_3, window_bounds = array<i64: 4, 1, 1>}, {}, {transform_indices = @transform_5, window_bounds = array<i64: 1024, 64>}]} {
    %get3A = arith.constant 0 : index
    %get3A_0 = arith.constant 0 : index
    %get3A_1 = arith.constant 0 : index
    %get3A_2 = memref.load %arg3[%get3A, %get3A_0, %get3A_1] : memref<4x1x1xf32, #tpu.memory_space<smem>>
    %get3A_3 = arith.constant 1 : index
    %get3A_4 = arith.constant 0 : index
    %get3A_5 = arith.constant 0 : index
    %get3A_6 = memref.load %arg3[%get3A_3, %get3A_4, %get3A_5] : memref<4x1x1xf32, #tpu.memory_space<smem>>
    %add3A = arith.addf %get3A_2, %get3A_6 : f32
    %get3A_7 = arith.constant 2 : index
    %get3A_8 = arith.constant 0 : index
    %get3A_9 = arith.constant 0 : index
    %get3A_10 = memref.load %arg3[%get3A_7, %get3A_8, %get3A_9] : memref<4x1x1xf32, #tpu.memory_space<smem>>
    %add3A_11 = arith.addf %add3A, %get3A_10 : f32
    %get3A_12 = arith.constant 3 : index
    %get3A_13 = arith.constant 0 : index
    %get3A_14 = arith.constant 0 : index
    %get3A_15 = memref.load %arg3[%get3A_12, %get3A_13, %get3A_14] : memref<4x1x1xf32, #tpu.memory_space<smem>>
    %add3A_16 = arith.addf %add3A_11, %get3A_15 : f32
    %get3A_17 = arith.constant 0 : index
    %get3A_18 = arith.constant 0 : index
    %get3A_19 = arith.constant 0 : index
    %get3A_20 = memref.load %arg4[%get3A_17, %get3A_18, %get3A_19] : memref<4x1x1xf32, #tpu.memory_space<smem>>
    %add3A_21 = arith.addf %add3A_16, %get3A_20 : f32
    %get3A_22 = arith.constant 1 : index
    %get3A_23 = arith.constant 0 : index
    %get3A_24 = arith.constant 0 : index
    %get3A_25 = memref.load %arg4[%get3A_22, %get3A_23, %get3A_24] : memref<4x1x1xf32, #tpu.memory_space<smem>>
    %add3A_26 = arith.addf %add3A_21, %get3A_25 : f32
    %get3A_27 = arith.constant 2 : index
    %get3A_28 = arith.constant 0 : index
    %get3A_29 = arith.constant 0 : index
    %get3A_30 = memref.load %arg4[%get3A_27, %get3A_28, %get3A_29] : memref<4x1x1xf32, #tpu.memory_space<smem>>
    %add3A_31 = arith.addf %add3A_26, %get3A_30 : f32
    %get3A_32 = arith.constant 3 : index
    %get3A_33 = arith.constant 0 : index
    %get3A_34 = arith.constant 0 : index
    %get3A_35 = memref.load %arg4[%get3A_32, %get3A_33, %get3A_34] : memref<4x1x1xf32, #tpu.memory_space<smem>>
    %add3A_36 = arith.addf %add3A_31, %get3A_35 : f32
    %mul3A = arith.constant 1.22070313E-4 : f32
    %mul3A_37 = arith.mulf %add3A_36, %mul3A : f32
    %get3A_38 = arith.constant 0 : index
    %get3A_39 = arith.constant 0 : index
    %get3A_40 = vector.load %arg1[%get3A_38, %get3A_39] : memref<1024x64xf32, #tpu.memory_space<vmem>>, vector<1024x64xf32>
    %get3A_41 = arith.constant 0 : index
    %get3A_42 = arith.constant 0 : index
    %get3A_43 = vector.load %arg2[%get3A_41, %get3A_42] : memref<1024x64xf32, #tpu.memory_space<vmem>>, vector<1024x64xf32>
    %reduce_sum3A = arith.constant dense<0.000000e+00> : vector<1024xf32>
    %reduce_sum3A_44 = vector.multi_reduction <add>, %get3A_40, %reduce_sum3A [1] : vector<1024x64xf32> to vector<1024xf32>
    %broadcast_in_dim3A = vector.shape_cast %reduce_sum3A_44 : vector<1024xf32> to vector<1024x1xf32>
    %div3A = arith.constant 6.400000e+01 : f32
    %div3A_45 = vector.broadcast %div3A : f32 to vector<1024x1xf32>
    %div3A_46 = arith.divf %broadcast_in_dim3A, %div3A_45 : vector<1024x1xf32>
    %sub3A = vector.broadcast %div3A_46 : vector<1024x1xf32> to vector<1024x64xf32>
    %sub3A_47 = arith.subf %get3A_40, %sub3A : vector<1024x64xf32>
    %mul3A_48 = arith.mulf %sub3A_47, %sub3A_47 : vector<1024x64xf32>
    %reduce_sum3A_49 = arith.constant dense<0.000000e+00> : vector<1024xf32>
    %reduce_sum3A_50 = vector.multi_reduction <add>, %mul3A_48, %reduce_sum3A_49 [1] : vector<1024x64xf32> to vector<1024xf32>
    %broadcast_in_dim3A_51 = vector.shape_cast %reduce_sum3A_50 : vector<1024xf32> to vector<1024x1xf32>
    %mul3A_52 = arith.constant 0.0158730168 : f32
    %mul3A_53 = vector.broadcast %mul3A_52 : f32 to vector<1024x1xf32>
    %mul3A_54 = arith.mulf %broadcast_in_dim3A_51, %mul3A_53 : vector<1024x1xf32>
    %sqrt3A = math.sqrt %mul3A_54 : vector<1024x1xf32>
    %add3A_55 = arith.constant 9.99999997E-7 : f32
    %add3A_56 = vector.broadcast %add3A_55 : f32 to vector<1024x1xf32>
    %add3A_57 = arith.addf %sqrt3A, %add3A_56 : vector<1024x1xf32>
    %div3A_58 = vector.broadcast %mul3A_37 : f32 to vector<1024x1xf32>
    %div3A_59 = arith.divf %div3A_58, %add3A_57 : vector<1024x1xf32>
    %lt3A = arith.cmpf olt, %get3A_40, %get3A_43 : vector<1024x64xf32>
    %add3A_60 = arith.constant 1.000000e+00 : f32
    %add3A_61 = vector.broadcast %add3A_60 : f32 to vector<1024x64xf32>
    %add3A_62 = arith.addf %get3A_40, %add3A_61 : vector<1024x64xf32>
    %log3A = math.log %add3A_62 : vector<1024x64xf32>
    %exp3A = math.exp %get3A_40 : vector<1024x64xf32>
    %sub3A_63 = arith.constant 1.000000e+00 : f32
    %sub3A_64 = vector.broadcast %sub3A_63 : f32 to vector<1024x64xf32>
    %sub3A_65 = arith.subf %exp3A, %sub3A_64 : vector<1024x64xf32>
    %select_n3A = arith.select %lt3A, %log3A, %sub3A_65 : vector<1024x64xi1>, vector<1024x64xf32>
    %mul3A_66 = vector.broadcast %div3A_59 : vector<1024x1xf32> to vector<1024x64xf32>
    %mul3A_67 = arith.mulf %mul3A_66, %select_n3A : vector<1024x64xf32>
    %reduce_max3A = arith.constant dense<0xFF800000> : vector<1024xf32>
    %reduce_max3A_68 = vector.multi_reduction <maximumf>, %mul3A_67, %reduce_max3A [1] : vector<1024x64xf32> to vector<1024xf32>
    %broadcast_in_dim3A_69 = vector.shape_cast %reduce_max3A_68 : vector<1024xf32> to vector<1024x1xf32>
    %sub3A_70 = vector.broadcast %broadcast_in_dim3A_69 : vector<1024x1xf32> to vector<1024x64xf32>
    %sub3A_71 = arith.subf %mul3A_67, %sub3A_70 : vector<1024x64xf32>
    %exp3A_72 = math.exp %sub3A_71 : vector<1024x64xf32>
    %reduce_sum3A_73 = arith.constant dense<0.000000e+00> : vector<1024xf32>
    %reduce_sum3A_74 = vector.multi_reduction <add>, %exp3A_72, %reduce_sum3A_73 [1] : vector<1024x64xf32> to vector<1024xf32>
    %broadcast_in_dim3A_75 = vector.shape_cast %reduce_sum3A_74 : vector<1024xf32> to vector<1024x1xf32>
    %div3A_76 = vector.broadcast %broadcast_in_dim3A_75 : vector<1024x1xf32> to vector<1024x64xf32>
    %div3A_77 = arith.divf %exp3A_72, %div3A_76 : vector<1024x64xf32>
    %swap3A = arith.constant 0 : index
    %swap3A_78 = arith.constant 0 : index
    %swap3A_79 = vector.load %arg6[%swap3A, %swap3A_78] : memref<1024x64xf32, #tpu.memory_space<vmem>>, vector<1024x64xf32>
    tpu.vector_store %arg6[%swap3A, %swap3A_78], %div3A_77 {strides = array<i32>} : memref<1024x64xf32, #tpu.memory_space<vmem>>, vector<1024x64xf32>,
    return
  }
  func.func @transform_0(%arg0: i32) -> (i32, i32) {
    %c0_i32 = arith.constant 0 : i32
    %c0_i32_0 = arith.constant 0 : i32
    return %arg0, %c0_i32 : i32, i32
  }
  func.func @transform_1(%arg0: i32) -> (i32, i32) {
    %c0_i32 = arith.constant 0 : i32
    %c0_i32_0 = arith.constant 0 : i32
    return %arg0, %c0_i32 : i32, i32
  }
  func.func @transform_2(%arg0: i32) -> (i32, i32, i32) {
    %c0_i32 = arith.constant 0 : i32
    %c0_i32_0 = arith.constant 0 : i32
    %c0_i32_1 = arith.constant 0 : i32
    %c0_i32_2 = arith.constant 0 : i32
    return %c0_i32, %c0_i32_0, %c0_i32_1 : i32, i32, i32
  }
  func.func @transform_3(%arg0: i32) -> (i32, i32, i32) {
    %c0_i32 = arith.constant 0 : i32
    %c0_i32_0 = arith.constant 0 : i32
    %c0_i32_1 = arith.constant 0 : i32
    %c0_i32_2 = arith.constant 0 : i32
    return %c0_i32, %c0_i32_0, %c0_i32_1 : i32, i32, i32
  }
  func.func @transform_5(%arg0: i32) -> (i32, i32) {
    %add3A = arith.constant 0 : i32
    %add3A_0 = arith.addi %arg0, %add3A : i32
    %c0_i32 = arith.constant 0 : i32
    %c0_i32_1 = arith.constant 0 : i32
    return %add3A_0, %c0_i32 : i32, i32
  }
}

module attributes {stable_mosaic.version = 14 : i64} {
  func.func @_stage2_body(%arg0: i32, %arg1: memref<1024x64xf32, #tpu.memory_space<vmem>>, %arg2: memref<1024x64xf32, #tpu.memory_space<vmem>>, %arg3: memref<4x1x1xf32, #tpu.memory_space<smem>>, %arg4: memref<4x1x1xf32, #tpu.memory_space<smem>>, %arg5: memref<8192x64xf32, #tpu.memory_space<any>>, %arg6: memref<1024x64xf32, #tpu.memory_space<vmem>>) attributes {dimension_semantics = [#tpu.dimension_semantics<arbitrary>], iteration_bounds = array<i64: 4>, scalar_prefetch = 0 : i64, scratch_operands = 0 : i64, tpu.core_type = #tpu.core_type<tc>, window_params = [{transform_indices = @transform_0, window_bounds = array<i64: 1024, 64>}, {transform_indices = @transform_1, window_bounds = array<i64: 1024, 64>}, {transform_indices = @transform_2, window_bounds = array<i64: 4, 1, 1>}, {transform_indices = @transform_3, window_bounds = array<i64: 4, 1, 1>}, {}, {transform_indices = @transform_5, window_bounds = array<i64: 1024, 64>}]} {
    %get3A = arith.constant 0 : index
    %get3A_0 = arith.constant 0 : index
    %get3A_1 = arith.constant 0 : index
    %get3A_2 = memref.load %arg3[%get3A, %get3A_0, %get3A_1] : memref<4x1x1xf32, #tpu.memory_space<smem>>
    %get3A_3 = arith.constant 1 : index
    %get3A_4 = arith.constant 0 : index
    %get3A_5 = arith.constant 0 : index
    %get3A_6 = memref.load %arg3[%get3A_3, %get3A_4, %get3A_5] : memref<4x1x1xf32, #tpu.memory_space<smem>>
    %add3A = arith.addf %get3A_2, %get3A_6 : f32
    %get3A_7 = arith.constant 2 : index
    %get3A_8 = arith.constant 0 : index
    %get3A_9 = arith.constant 0 : index
    %get3A_10 = memref.load %arg3[%get3A_7, %get3A_8, %get3A_9] : memref<4x1x1xf32, #tpu.memory_space<smem>>
    %add3A_11 = arith.addf %add3A, %get3A_10 : f32
    %get3A_12 = arith.constant 3 : index
    %get3A_13 = arith.constant 0 : index
    %get3A_14 = arith.constant 0 : index
    %get3A_15 = memref.load %arg3[%get3A_12, %get3A_13, %get3A_14] : memref<4x1x1xf32, #tpu.memory_space<smem>>
    %add3A_16 = arith.addf %add3A_11, %get3A_15 : f32
    %get3A_17 = arith.constant 0 : index
    %get3A_18 = arith.constant 0 : index
    %get3A_19 = arith.constant 0 : index
    %get3A_20 = memref.load %arg4[%get3A_17, %get3A_18, %get3A_19] : memref<4x1x1xf32, #tpu.memory_space<smem>>
    %add3A_21 = arith.addf %add3A_16, %get3A_20 : f32
    %get3A_22 = arith.constant 1 : index
    %get3A_23 = arith.constant 0 : index
    %get3A_24 = arith.constant 0 : index
    %get3A_25 = memref.load %arg4[%get3A_22, %get3A_23, %get3A_24] : memref<4x1x1xf32, #tpu.memory_space<smem>>
    %add3A_26 = arith.addf %add3A_21, %get3A_25 : f32
    %get3A_27 = arith.constant 2 : index
    %get3A_28 = arith.constant 0 : index
    %get3A_29 = arith.constant 0 : index
    %get3A_30 = memref.load %arg4[%get3A_27, %get3A_28, %get3A_29] : memref<4x1x1xf32, #tpu.memory_space<smem>>
    %add3A_31 = arith.addf %add3A_26, %get3A_30 : f32
    %get3A_32 = arith.constant 3 : index
    %get3A_33 = arith.constant 0 : index
    %get3A_34 = arith.constant 0 : index
    %get3A_35 = memref.load %arg4[%get3A_32, %get3A_33, %get3A_34] : memref<4x1x1xf32, #tpu.memory_space<smem>>
    %add3A_36 = arith.addf %add3A_31, %get3A_35 : f32
    %mul3A = arith.constant 1.22070313E-4 : f32
    %mul3A_37 = arith.mulf %add3A_36, %mul3A : f32
    %get3A_38 = arith.constant 0 : index
    %get3A_39 = arith.constant 0 : index
    %get3A_40 = vector.load %arg1[%get3A_38, %get3A_39] : memref<1024x64xf32, #tpu.memory_space<vmem>>, vector<1024x64xf32>
    %get3A_41 = arith.constant 0 : index
    %get3A_42 = arith.constant 0 : index
    %get3A_43 = vector.load %arg2[%get3A_41, %get3A_42] : memref<1024x64xf32, #tpu.memory_space<vmem>>, vector<1024x64xf32>
    %reduce_sum3A = arith.constant dense<0.000000e+00> : vector<1024xf32>
    %reduce_sum3A_44 = vector.multi_reduction <add>, %get3A_40, %reduce_sum3A [1] : vector<1024x64xf32> to vector<1024xf32>
    %broadcast_in_dim3A = vector.shape_cast %reduce_sum3A_44 : vector<1024xf32> to vector<1024x1xf32>
    %div3A = arith.constant 6.400000e+01 : f32
    %div3A_45 = vector.broadcast %div3A : f32 to vector<1024x1xf32>
    %div3A_46 = arith.divf %broadcast_in_dim3A, %div3A_45 : vector<1024x1xf32>
    %sub3A = vector.broadcast %div3A_46 : vector<1024x1xf32> to vector<1024x64xf32>
    %sub3A_47 = arith.subf %get3A_40, %sub3A : vector<1024x64xf32>
    %mul3A_48 = arith.mulf %sub3A_47, %sub3A_47 : vector<1024x64xf32>
    %reduce_sum3A_49 = arith.constant dense<0.000000e+00> : vector<1024xf32>
    %reduce_sum3A_50 = vector.multi_reduction <add>, %mul3A_48, %reduce_sum3A_49 [1] : vector<1024x64xf32> to vector<1024xf32>
    %broadcast_in_dim3A_51 = vector.shape_cast %reduce_sum3A_50 : vector<1024xf32> to vector<1024x1xf32>
    %mul3A_52 = arith.constant 0.0158730168 : f32
    %mul3A_53 = vector.broadcast %mul3A_52 : f32 to vector<1024x1xf32>
    %mul3A_54 = arith.mulf %broadcast_in_dim3A_51, %mul3A_53 : vector<1024x1xf32>
    %sqrt3A = math.sqrt %mul3A_54 : vector<1024x1xf32>
    %add3A_55 = arith.constant 9.99999997E-7 : f32
    %add3A_56 = vector.broadcast %add3A_55 : f32 to vector<1024x1xf32>
    %add3A_57 = arith.addf %sqrt3A, %add3A_56 : vector<1024x1xf32>
    %div3A_58 = vector.broadcast %mul3A_37 : f32 to vector<1024x1xf32>
    %div3A_59 = arith.divf %div3A_58, %add3A_57 : vector<1024x1xf32>
    %lt3A = arith.cmpf olt, %get3A_40, %get3A_43 : vector<1024x64xf32>
    %add3A_60 = arith.constant 1.000000e+00 : f32
    %add3A_61 = vector.broadcast %add3A_60 : f32 to vector<1024x64xf32>
    %add3A_62 = arith.addf %get3A_40, %add3A_61 : vector<1024x64xf32>
    %log3A = math.log %add3A_62 : vector<1024x64xf32>
    %exp3A = math.exp %get3A_40 : vector<1024x64xf32>
    %sub3A_63 = arith.constant 1.000000e+00 : f32
    %sub3A_64 = vector.broadcast %sub3A_63 : f32 to vector<1024x64xf32>
    %sub3A_65 = arith.subf %exp3A, %sub3A_64 : vector<1024x64xf32>
    %select_n3A = arith.select %lt3A, %log3A, %sub3A_65 : vector<1024x64xi1>, vector<1024x64xf32>
    %mul3A_66 = vector.broadcast %div3A_59 : vector<1024x1xf32> to vector<1024x64xf32>
    %mul3A_67 = arith.mulf %mul3A_66, %select_n3A : vector<1024x64xf32>
    %reduce_max3A = arith.constant dense<0xFF800000> : vector<1024xf32>
    %reduce_max3A_68 = vector.multi_reduction <maximumf>, %mul3A_67, %reduce_max3A [1] : vector<1024x64xf32> to vector<1024xf32>
    %broadcast_in_dim3A_69 = vector.shape_cast %reduce_max3A_68 : vector<1024xf32> to vector<1024x1xf32>
    %sub3A_70 = vector.broadcast %broadcast_in_dim3A_69 : vector<1024x1xf32> to vector<1024x64xf32>
    %sub3A_71 = arith.subf %mul3A_67, %sub3A_70 : vector<1024x64xf32>
    %exp3A_72 = math.exp %sub3A_71 : vector<1024x64xf32>
    %reduce_sum3A_73 = arith.constant dense<0.000000e+00> : vector<1024xf32>
    %reduce_sum3A_74 = vector.multi_reduction <add>, %exp3A_72, %reduce_sum3A_73 [1] : vector<1024x64xf32> to vector<1024xf32>
    %broadcast_in_dim3A_75 = vector.shape_cast %reduce_sum3A_74 : vector<1024xf32> to vector<1024x1xf32>
    %div3A_76 = vector.broadcast %broadcast_in_dim3A_75 : vector<1024x1xf32> to vector<1024x64xf32>
    %div3A_77 = arith.divf %exp3A_72, %div3A_76 : vector<1024x64xf32>
    %swap3A = arith.constant 0 : index
    %swap3A_78 = arith.constant 0 : index
    %swap3A_79 = vector.load %arg6[%swap3A, %swap3A_78] : memref<1024x64xf32, #tpu.memory_space<vmem>>, vector<1024x64xf32>
    tpu.vector_store %arg6[%swap3A, %swap3A_78], %div3A_77 {strides = array<i32>} : memref<1024x64xf32, #tpu.memory_space<vmem>>, vector<1024x64xf32>,
    return
  }
  func.func @transform_0(%arg0: i32) -> (i32, i32) {
    %c0_i32 = arith.constant 0 : i32
    %c0_i32_0 = arith.constant 0 : i32
    return %arg0, %c0_i32 : i32, i32
  }
  func.func @transform_1(%arg0: i32) -> (i32, i32) {
    %c0_i32 = arith.constant 0 : i32
    %c0_i32_0 = arith.constant 0 : i32
    return %arg0, %c0_i32 : i32, i32
  }
  func.func @transform_2(%arg0: i32) -> (i32, i32, i32) {
    %c0_i32 = arith.constant 0 : i32
    %c0_i32_0 = arith.constant 0 : i32
    %c0_i32_1 = arith.constant 0 : i32
    %c0_i32_2 = arith.constant 0 : i32
    return %c0_i32, %c0_i32_0, %c0_i32_1 : i32, i32, i32
  }
  func.func @transform_3(%arg0: i32) -> (i32, i32, i32) {
    %c0_i32 = arith.constant 0 : i32
    %c0_i32_0 = arith.constant 0 : i32
    %c0_i32_1 = arith.constant 0 : i32
    %c0_i32_2 = arith.constant 0 : i32
    return %c0_i32, %c0_i32_0, %c0_i32_1 : i32, i32, i32
  }
  func.func @transform_5(%arg0: i32) -> (i32, i32) {
    %add3A = arith.constant 4 : i32
    %add3A_0 = arith.addi %arg0, %add3A : i32
    %c0_i32 = arith.constant 0 : i32
    %c0_i32_1 = arith.constant 0 : i32
    return %add3A_0, %c0_i32 : i32, i32
  }
}

</mosaic_0001>

<sc_bundles>
// kernel: kernel.11.cloned.1.call-start
scs
__scs_entry_jumppad:
0x0: {  	(pc) =	sbr.rel $0x88, $3  }
0x1: {  	(tag) =	ssettag $0x0;
	lr =	simm.s32 $0x1  }
0x2: {  	[smem:$0x3F9E] =	sst lr;
	_ =	strace $0xD0000000  }
0x3: {  	_ = 	snop  }
0x4: {  	_ = 	snop  }
0x5: {  	_ = 	snop  }
0x6: {  	_ = 	snop  }
0x7: {  	_ = 	snop  }
__scs_overlays_trampoline_lowered:
0x8: {  	[smem:$0x3FAD] =	sst s0  }
0x9: {  	[smem:$0x3FAE] =	sst s1  }
0xa: {  	[smem:$0x3FAF] =	sst s2  }
0xb: {  	[smem:$0x3FB0] =	sst s3  }
0xc: {  	[smem:$0x3FB1] =	sst s4  }
0xd: {  	[smem:$0x3FB2] =	sst s5  }
0xe: {  	[smem:$0x3FB3] =	sst s6  }
0xf: {  	[smem:$0x3FB4] =	sst s7  }
0x10: {  	[smem:$0x3FB5] =	sst s8  }
0x11: {  	[smem:$0x3FB6] =	sst s9;
	s0 =	simm.s32 @!p0 $0x0  }
0x12: {  	s1 =	sld [smem:$0x3F9C];
	s0 =	simm.s32 @p0 $0x1  }
0x13: {  	[smem:$0x3FB7] =	sst s0;
	s0 =	simm.s32 @!p1 $0x0  }
0x14: {  	s2 =	sld [smem:$0x3F9B];
	s0 =	simm.s32 @p1 $0x1  }
0x15: {  	[smem:$0x3FB8] =	sst s0;
	s0 =	simm.s32 @!p2 $0x0  }
0x16: {  	s3 =	sld [smem:$0x3FDB];
	s0 =	simm.s32 @p2 $0x1  }
0x17: {  	s4 =	simm.s32 $0x1BF5;
	[smem:$0x3FBA] =	sst s0  }
0x18: {  	s0 =	sld [smem:$0x3F9D];
	_ =	swait.ge [sflag:s4], $0x0  }
0x19: {  	s7 =	sld [smem:$0x3F9E]  }
0x1a: {  	s8 =	sadd.s32 $0xFFFFE003, lr  }
0x1b: {  	s9 =	sadd.s32 $0xFFFFFEF7, lr;
	s5 =	simm.s32 $0xFFFFFFFF;
	p2 =	slt.u32 s8, $0xFFFFF086  }
0x1c: {  	p1 =	slt.u32 s9, $0xF7A;
	s5 =	simm.s32 @!p2 $0x0  }
0x1d: {  	s5 =	simm.s32 @p1 $0x1;
	p0 =	seq.s32 s7, s2  }
0x1e: {  	s7 =	smul.u32 @!p0 $0xF7A, s2;
	p2 =	seq.s32 @!p0 s5, $0x0  }
0x1f: {  	s9 =	smul.u32 $0xF7A, s1;
	s8 =	simm.s32 @!p0 $0x1BF5;
	p2 =	por !p2, p0  }
0x20: {  	[sflag:s8] =	ssyncset.s32 @!p0 $0xFFFFF086;
	s6 =	sadd.s32 @!p0 s3, s7;
	s7 =	simm.s32 @!p0 $0x108  }
0x21: {  	s3 =	sadd.s32 s3, s9;
	s6 =	sadd.s32 @!p0 $0x88, s6;
	s7 =	simm.s32 @p2 $0x1082  }
0x22: {  	[simem:s7], [sflag:s8] =	dma.local @!p0 [hbm:s6], $0xF7A  }
0x23: {  	s9 =	sor.u32 $0xD0000000, s2;
	s6 =	simm.s32 $0x108;
	_ =	swait.ge @!p0 [sflag:s8], $0x0  }
0x24: {  	s3 =	sadd.s32 $0x88, s3;
	s6 =	simm.s32 @!p1 $0x1082;
	[sflag:s4] =	ssyncset.s32 $0xFFFFF086  }
0x25: {  	[simem:s6], [sflag:s4] =	dma.local [hbm:s3], $0xF7A  }
0x26: {  	[smem:$0x3F9E] =	sst s1;
	(tag) =	ssettag s2;
	_ =	strace s9  }
0x27: {  	s1 =	sld [smem:$0x3FAE]  }
0x28: {  	s2 =	sld [smem:$0x3FAF]  }
0x29: {  	s4 =	sld [smem:$0x3FB1]  }
0x2a: {  	p0 =	seq.s32 s5, $0x0;
	s5 =	sld [smem:$0x3FB2]  }
0x2b: {  	s6 =	sld [smem:$0x3FB3]  }
0x2c: {  	s7 =	sld [smem:$0x3FB4]  }
0x2d: {  	s3 =	simm.s32 $0x108;
	s8 =	sld [smem:$0x3FB5]  }
0x2e: {  	s3 =	simm.s32 @!p0 $0x1082;
	s9 =	sld [smem:$0x3FB6]  }
0x2f: {  	lr =	sadd.s32 s0, s3;
	s0 =	sld [smem:$0x3FAD]  }
0x30: {  	s3 =	sld [smem:$0x3FB0]  }
0x31: {  	[smem:$0x3FB9] =	sst s10  }
0x32: {  	s10 =	sld [smem:$0x3FB7];
	_ =	sdelay $0x3  }
0x33: {  	p0 =	seq.s32 s10, $0x1;
	s10 =	sld [smem:$0x3FB9];
	_ =	sdelay $0x3  }
0x34: {  	[smem:$0x3FB9] =	sst s10  }
0x35: {  	s10 =	sld [smem:$0x3FB8];
	_ =	sdelay $0x3  }
0x36: {  	p1 =	seq.s32 s10, $0x1;
	s10 =	sld [smem:$0x3FB9];
	_ =	sdelay $0x3  }
0x37: {  	[smem:$0x3FB9] =	sst s10  }
0x38: {  	s10 =	sld [smem:$0x3FBA]  }
0x39: {  	_ = 	snop;
	(pc) =	sbr.ind lr, $3  }
0x3a: {  	_ = 	snop  }
0x3b: {  	_ = 	snop  }
0x3c: {  	p2 =	seq.s32 s10, $0x1;
	s10 =	sld [smem:$0x3FB9]  }
0x3d: {  	_ =	shalt  }
0x3e: {  	_ =	shalt  }
0x3f: {  	_ =	shalt  }
0x40: {  	_ =	shalt  }
0x41: {  	_ =	shalt  }
0x42: {  	_ =	shalt  }
0x43: {  	_ =	shalt  }
0x44: {  	_ =	shalt  }
0x45: {  	_ =	shalt  }
0x46: {  	_ =	shalt  }
0x47: {  	_ =	shalt  }
0x48: {  	_ =	shalt  }
0x49: {  	_ =	shalt  }
0x4a: {  	_ =	shalt  }
0x4b: {  	_ =	shalt  }
0x4c: {  	_ =	shalt  }
0x4d: {  	_ =	shalt  }
0x4e: {  	_ =	shalt  }
0x4f: {  	_ =	shalt  }
0x50: {  	_ =	shalt  }
0x51: {  	_ =	shalt  }
0x52: {  	_ =	shalt  }
0x53: {  	_ =	shalt  }
0x54: {  	_ =	shalt  }
0x55: {  	_ =	shalt  }
0x56: {  	_ =	shalt  }
0x57: {  	_ =	shalt  }
0x58: {  	_ =	shalt  }
0x59: {  	_ =	shalt  }
0x5a: {  	_ =	shalt  }
0x5b: {  	_ =	shalt  }
0x5c: {  	_ =	shalt  }
0x5d: {  	_ =	shalt  }
0x5e: {  	_ =	shalt  }
0x5f: {  	_ =	shalt  }
0x60: {  	_ =	shalt  }
0x61: {  	_ =	shalt  }
0x62: {  	_ =	shalt  }
0x63: {  	_ =	shalt  }
0x64: {  	_ =	shalt  }
0x65: {  	_ =	shalt  }
0x66: {  	_ =	shalt  }
0x67: {  	_ =	shalt  }
0x68: {  	_ =	shalt  }
0x69: {  	_ =	shalt  }
0x6a: {  	_ =	shalt  }
0x6b: {  	_ =	shalt  }
0x6c: {  	_ =	shalt  }
0x6d: {  	_ =	shalt  }
0x6e: {  	_ =	shalt  }
0x6f: {  	_ =	shalt  }
0x70: {  	_ =	shalt  }
0x71: {  	_ =	shalt  }
0x72: {  	_ =	shalt  }
0x73: {  	_ =	shalt  }
0x74: {  	_ =	shalt  }
0x75: {  	_ =	shalt  }
0x76: {  	_ =	shalt  }
0x77: {  	_ =	shalt  }
0x78: {  	_ =	shalt  }
0x79: {  	_ =	shalt  }
0x7a: {  	_ =	shalt  }
0x7b: {  	_ =	shalt  }
0x7c: {  	_ =	shalt  }
0x7d: {  	_ =	shalt  }
0x7e: {  	_ =	shalt  }
0x7f: {  	_ =	shalt  }
0x80: {  	_ =	shalt  }
0x81: {  	_ =	shalt  }
0x82: {  	_ =	shalt  }
0x83: {  	_ =	shalt  }
0x84: {  	_ =	shalt  }
0x85: {  	_ =	shalt  }
0x86: {  	_ =	shalt  }
0x87: {  	_ =	shalt  }
.Lfunc_end0:
.L_simem_size_0:
called_computation.1_lowered:
.L_overlay_start_0:
0x88: {  	s2 =	sld [smem:$0x3FD9]  }
0x89: {  	s3 =	sld [smem:$0x3FFE];
	_ =	sdelay $0x1  }
0x8a: {  	s1 =	srdreg.scid  }
0x8b: {  	s0 =	sand.u32 $0x1, s1  }
0x8c: {  	s17 =	sshll.u32 s0, $0xA;
	s2 =	sadd.s32 s3, s2  }
0x8d: {  	s2 =	sadd.s32 s2, s17  }
0x8e: {  	[smem:$0x3FC5] =	sst s2  }
0x8f: {  	_ = 	snop  }
0x90: {  	s18 =	sld [smem:$0x3FD0];
	(tm) =	ssettm $0x1  }
0x91: {  	s19 =	sld [smem:$0x3FFB];
	_ =	sdelay $0x3  }
0x92: {  	_ =	strace s19  }
0x93: {  	s2 =	sld [smem:$0x3FFC];
	_ =	sdelay $0x3  }
0x94: {  	_ =	strace s2  }
0x95: {  	s2 =	sld [smem:$0x3FFD];
	_ =	sdelay $0x3  }
0x96: {  	_ =	strace s2  }
0x97: {  	_ =	strace $0x8FFFFFFF  }
0x98: {  	s20 =	sld [smem:$0x3FDB];
	_ =	sdelay $0x1  }
0x99: {  	s4 =	simm.s32 $_scs_section_size  }
0x9a: {  	s5 =	simm.s32 $_size__tile_overlayer_lowered;
	s6 =	simm.s32 $_tile_overlayer_lowered  }
0x9b: {  	s7 =	simm.s32 $0x1BFF;
	s21 =	sshll.u32 s6, $0x1;
	s4 =	sadd.s32 s4, s20  }
0x9c: {  	s22 =	simm.s32 $0x0;
	s5 =	sshll.u32 s5, $0x1;
	s6 =	sadd.s32 s21, s4  }
0x9d: {  	[timem:s22], [sflag:s7] =	dma.local [hbm:s6], s5  }
0x9e: {  	_ =	swait.ge [sflag:s7], s5  }
0x9f: {  	s5 =	ssub.s32 $0x0, s5;
	[sflag:s7] =	ssyncset.done $0x0  }
0xa0: {  	[sflag:s7] =	ssyncadd.s32 s5;
	_ =	sdelay $0x1  }
0xa1: {  	s23 =	simm.s32 $0x1B8B  }
0xa2: {  	_ =	swait.ge [sflag:s23], $0x1  }
0xa3: {  	[sflag:s23] =	ssyncset.done $0x0  }
0xa4: {  	[sflag:s23] =	ssyncadd.s32 $0xFFFFFFFF  }
0xa5: {  	s5 =	sld [smem:$0x0]  }
0xa6: {  	s6 =	sand.u32 $0xFFFFFFFE, s1  }
0xa7: {  	p0 =	sne.s32 s1, s6  }
0xa8: {  	s6 =	sshll.u32 @p0 s6, $0xE  }
0xa9: {  	s6 =	sadd.s32 @p0 $0x11B8D, s6;
	s7 =	sshll.u32 @p0 s5, $0x11  }
0xaa: {  	s6 =	sor.u32 @p0 s7, s6  }
0xab: {  	[sflag:s6] =	ssyncadd.remote.s32 @p0 $0x1;
	_ =	sdelay $0x1  }
0xac: {  	s6 =	simm.s32 @p0 $0x1B8D  }
0xad: {  	_ =	swait.eq @p0 [sflag:s6], $0x1  }
0xae: {  	[sflag:s6] =	ssyncadd.s32 @p0 $0xFFFFFFFF  }
0xaf: {  	s7 =	sshll.u32 @!p0 s1, $0xE  }
0xb0: {  	s7 =	sor.u32 @!p0 $0x4000, s7;
	s6 =	simm.s32 @!p0 $0x1B8D  }
0xb1: {  	s5 =	sshll.u32 @!p0 s5, $0x11;
	s7 =	sadd.s32 @!p0 $0x11B8D, s7;
	_ =	swait.eq @!p0 [sflag:s6], $0x1  }
0xb2: {  	s5 =	sor.u32 @!p0 s5, s7;
	[sflag:s6] =	ssyncadd.s32 @!p0 $0xFFFFFFFF  }
0xb3: {  	s25 =	simm.s32 $0x1B8E;
	s24 =	sld [smem:$0x3FFE];
	[sflag:s5] =	ssyncadd.remote.s32 @!p0 $0x1  }
0xb4: {  	s26 =	simm.s32 $execute0_lowered;
	[smem:$0x3FD2] =	sst s25  }
0xb5: {  	s6 =	sshll.u32 s26, $0x1;
	_ =	strace $0x80000049;
	[dreg:$0x1] =	wrdreg $0xFFFFFFFF  }
0xb6: {  	s28 =	simm.s32 $_size_execute0_lowered;
	s4 =	sadd.s32 s4, s6;
	[dreg:$0x0] =	wrdreg $0x0  }
0xb7: {  	s6 =	sshll.u32 s28, $0x1;
	[dreg:$0x2] =	wrdreg s4  }
0xb8: {  	[dreg:$0x3] =	wrdreg s6  }
0xb9: {  	[dreg:$0x4] =	wrdreg $0xC0  }
0xba: {  	_ =	task [dreg:s22], $0x5FFFF  }
0xbb: {  	[dreg:$0x1] =	wrdreg $0xFFFFFFFF  }
0xbc: {  	[dreg:$0x0] =	wrdreg $0x60  }
0xbd: {  	[dreg:$0x2] =	wrdreg s18  }
0xbe: {  	[dreg:$0x3] =	wrdreg s24  }
0xbf: {  	[dreg:$0x4] =	wrdreg $0xA  }
0xc0: {  	_ =	task.clear_ibuf [dreg:s22], $0x5FFFF;
	_ =	strace $0x90000049  }
0xc1: {  	s29 =	simm.s32 $0xA;
	_ =	strace $0x8000004B  }
0xc2: {  	_ =	swait.ge [sflag:s29], $0x1  }
0xc3: {  	[sflag:s29] =	ssyncadd.s32 $0xFFFFFFFF  }
0xc4: {  	_ =	strace $0x9000004B  }
0xc5: {  	_ =	sfence  }
0xc6: {  	s30 =	sld [smem:$0x0];
	_ =	sdelay $0x2  }
0xc7: {  	s31 =	sshll.u32 s1, $0xD;
	s1 =	sshrl.u32 s1, $0x2  }
0xc8: {  	s4 =	sand.u32 $0x4000, s31;
	s1 =	sadd.s32 s1, s30  }
0xc9: {  	s0 =	sor.u32 s4, s0;
	s1 =	sshll.u32 s1, $0x11  }
0xca: {  	s0 =	sor.u32 s1, s0  }
0xcb: {  	s0 =	sadd.s32 $0x8F2B, s0  }
0xcc: {  	[sflag:s0] =	ssyncadd.remote.s32 $0x1  }
0xcd: {  	_ =	sfence.sel $0xFFFF  }
0xce: {  	[dreg:$0x0] =	wrdreg $0xFFFFFFFF;
	(pc) =	sbr.abs _section_cstart, $3  }
0xcf: {  	[dreg:$0x1] =	wrdreg $0xFFFFFFFF  }
0xd0: {  	_ =	task.clear_ibuf [dreg:s22], $0x2FFFF;
	_ =	strace $0x9FFFFFFF  }
0xd1: {  	(tm) =	ssettm $0x7FFFFFFF  }
tec
execute0_lowered:
.L_overlay_start_1:
0x0: {  	(tag) =	ssettag $0x1  }
0x1: {  	s3 =	rddreg [dreg:$0x0]  }
0x2: {  	s4 =	rddreg [dreg:$0x1]  }
0x3: {  	s0 =	rddreg [dreg:$0x2];
	s5 =	srdreg.scid  }
0x4: {  	s2 =	simm.s32 $0x0;
	s1 =	stileid.u32;
	s8 =	simm.s32 $0x0  }
0x5: {  	s5 =	sand.u32 $0x1, s5;
	s6 =	sshll.u32 s1, $0xC;
	[smem:$0x7FF] =	sst s2  }
0x6: {  	v0 =	vlaneseq.u32;
	s7 =	sshll.u32 s5, $0xB;
	s5 =	ssub.s32 $0x2, s5;
	_ =	strace $0x8000004A  }
0x7: {  	v0 =	vmul.u32 $0xFFFFFFFF, v0;
	s6 =	sor.u32 s7, s6;
	s31 =	sshrl.u32 s5, $0x1;
	s7 =	simm.s32 $0x4000  }
0x8: {  	s4 =	sadd.s32 s6, s4;
	s5 =	ssub.s32 s5, s31;
	s3 =	sadd.s32 s3, s6  }
0x9: {  	vm0 =	vcmask $0x1B20;
	v0 =	vadd.s32 $0xF, v0;
	s6 =	simm.s32 $0x1;
	s4 =	sadd.s32 $0x21A00, s4;
	s5 =	smax.u32 s5, $0x1  }
.LBB2_1:
0xa: {  	[tilespmem:s2], [sflag:$0x1] =	stream.linear.gather [hbm4b:s3+s2], $0x4000, $0x38;
	[tilespmem:$0x8000] =	vst v63  }
0xb: {  	_ =	swait.ge [sflag:s6], $0x4000  }
0xc: {  	[sflag:s6] =	ssyncset.done $0x0  }
0xd: {  	s11 =	simm.s32 $0x0;
	[sflag:s6] =	ssyncadd.s32 $0xFFFFC000  }
0xe: {  	v1 =	vld [tilespmem:s11+$0x0]  }
0xf: {  	v2 =	vld [tilespmem:s11+$0x10];
	_ =	sdelay $0x1  }
0x10: {  	v3 =	vld [tilespmem:s11+$0x30];
	_ =	sdelay $0x1  }
0x11: {  	v4 =	vld [tilespmem:s11+$0x20];
	(xrf1) =	vsort.dscd.msk.f32 $0xffff, v1, v1  }
0x12: {  	(xrf1) =	vsort.dscd.msk.f32 $0xffff, v2, v2  }
0x13: {  	s9 =	simm.s32 $0x80  }
0x14: {  	v1 =	vld [tilespmem:s9+$0x0];
	(xrf1) =	vsort.dscd.msk.f32 $0xffff, v3, v3  }
0x15: {  	v2 =	vld [tilespmem:s9+$0x10]  }
0x16: {  	v3 =	vld [tilespmem:s9+$0x30];
	(xrf1) =	vsort.dscd.msk.f32 $0xffff, v4, v4;
	_ =	sdelay $0x1  }
0x17: {  	v4 =	vld [tilespmem:s9+$0x20]  }
0x18: {  	(xrf1) =	vsort.dscd.msk.f32 $0xffff, v1, v1  }
0x19: {  	s10 =	simm.s32 $0x100;
	(xrf1) =	vsort.dscd.msk.f32 $0xffff, v2, v2  }
0x1a: {  	v1 =	vld [tilespmem:s10+$0x0];
	(xrf1) =	vsort.dscd.msk.f32 $0xffff, v3, v3  }
0x1b: {  	v2 =	vld [tilespmem:s10+$0x10]  }
0x1c: {  	v3 =	vld [tilespmem:s10+$0x30];
	(xrf1) =	vsort.dscd.msk.f32 $0xffff, v4, v4;
	_ =	sdelay $0x1  }
0x1d: {  	v4 =	vld [tilespmem:s10+$0x20];
	v5, _, _ =	vpop (xrf1)  }
0x1e: {  	v6, _, _ =	vpop (xrf1);
	(xrf1) =	vsort.dscd.msk.f32 $0xffff, v1, v1  }
0x1f: {  	(xrf1) =	vsort.dscd.msk.f32 $0xffff, v2, v2  }
0x20: {  	v1, _, _ =	vpop (xrf1);
	(xrf1) =	vsort.dscd.msk.f32 $0xffff, v3, v3  }
0x21: {  	s12 =	simm.s32 $0x180;
	v6 =	vperm.xlane v6, v0;
	v1 =	vperm.xlane v1, v0  }
0x22: {  	v2, _, _ =	vpop (xrf1);
	v3 =	vld [tilespmem:s12+$0x0];
	(xrf1) =	vsort.dscd.msk.f32 $0xffff, v4, v4  }
0x23: {  	v4 =	vmax.f32 v5, v6;
	v1 =	vmax.f32 v2, v1;
	v2 =	vld [tilespmem:s12+$0x10]  }
0x24: {  	(xrf1) =	vsort.dscd.msk.f32 $0xffff, v1, v1;
	v1 =	vld [tilespmem:s12+$0x30]  }
0x25: {  	v5 =	vld [tilespmem:s12+$0x20];
	v6, _, _ =	vpop (xrf1)  }
0x26: {  	(xrf1) =	vsort.dscd.msk.f32 $0xffff, v4, v4;
	v4, _, _ =	vpop (xrf1)  }
0x27: {  	(xrf1) =	vsort.dscd.msk.f32 $0xffff, v3, v3;
	v3, _, _ =	vpop (xrf1)  }
0x28: {  	s13 =	simm.s32 $0x200;
	(xrf1) =	vsort.dscd.msk.f32 $0xffff, v2, v2;
	v2 =	vperm.xlane v3, v0  }
0x29: {  	v3, _, _ =	vpop (xrf1);
	(xrf1) =	vsort.dscd.msk.f32 $0xffff, v1, v1;
	v1 =	vperm.xlane v4, v0;
	v4 =	vld [tilespmem:s13+$0x0]  }
0x2a: {  	(xrf1) =	vsort.dscd.msk.f32 $0xffff, v5, v5;
	v2 =	vmax.f32 v3, v2;
	v3 =	vld [tilespmem:s13+$0x10]  }
0x2b: {  	(xrf1) =	vsort.dscd.msk.f32 $0xffff, v2, v2;
	v1 =	vmax.f32 v6, v1;
	v2 =	vld [tilespmem:s13+$0x30]  }
0x2c: {  	(xrf1) =	vsort.dscd.msk.f32 $0xffff, v1, v1;
	v1 =	vld [tilespmem:s13+$0x20];
	v5, _, _ =	vpop (xrf1)  }
0x2d: {  	v6, _, _ =	vpop (xrf1)  }
0x2e: {  	(xrf1) =	vsort.dscd.msk.f32 $0xffff, v4, v4;
	v4, _, _ =	vpop (xrf1)  }
0x2f: {  	(xrf1) =	vsort.dscd.msk.f32 $0xffff, v3, v3;
	v3 =	vperm.xlane v4, v0  }
0x30: {  	v4, _, _ =	vpop (xrf1);
	(xrf1) =	vsort.dscd.msk.f32 $0xffff, v2, v2  }
0x31: {  	(xrf1) =	vsort.dscd.msk.f32 $0xffff, v1, v1;
	v1 =	vmax.f32 v4, v3  }
0x32: {  	v2 =	vperm.xlane v6, v0;
	v6, _, _ =	vpop (xrf1)  }
0x33: {  	s14 =	simm.s32 $0x280;
	v3 =	vperm.xlane v6, v0  }
0x34: {  	v7 =	vld [tilespmem:s14+$0x0];
	(xrf1) =	vsort.dscd.msk.f32 $0xffff, v1, v1;
	v1, _, _ =	vpop (xrf1)  }
0x35: {  	v4 =	vld [tilespmem:s14+$0x10];
	v1 =	vmax.f32 v1, v3  }
0x36: {  	v2 =	vmax.f32 v5, v2;
	v5 =	vld [tilespmem:s14+$0x30]  }
0x37: {  	(xrf1) =	vsort.dscd.msk.f32 $0xffff, v2, v2;
	v2 =	vld [tilespmem:s14+$0x20];
	v3, _, _ =	vpop (xrf1)  }
0x38: {  	(xrf1) =	vsort.dscd.msk.f32 $0xffff, v1, v1;
	v1, _, _ =	vpop (xrf1)  }
0x39: {  	(xrf1) =	vsort.dscd.msk.f32 $0xffff, v7, v7;
	v6, _, _ =	vpop (xrf1)  }
0x3a: {  	(xrf1) =	vsort.dscd.msk.f32 $0xffff, v4, v4;
	v4 =	vperm.xlane v6, v0;
	v6, _, _ =	vpop (xrf1)  }
0x3b: {  	v1 =	vperm.xlane v1, v0;
	(xrf1) =	vsort.dscd.msk.f32 $0xffff, v5, v5;
	v5, _, _ =	vpop (xrf1)  }
0x3c: {  	s15 =	simm.s32 $0x300;
	(xrf1) =	vsort.dscd.msk.f32 $0xffff, v2, v2;
	v2 =	vmax.f32 v6, v4;
	v4 =	vperm.xlane v5, v0  }
0x3d: {  	v7 =	vld [tilespmem:s15+$0x0];
	v1 =	vmax.f32 v3, v1;
	v5, _, _ =	vpop (xrf1);
	(xrf1) =	vsort.dscd.msk.f32 $0xffff, v2, v2  }
0x3e: {  	v6 =	vld [tilespmem:s15+$0x10];
	(xrf1) =	vsort.dscd.msk.f32 $0xffff, v1, v1;
	v1 =	vmax.f32 v5, v4  }
0x3f: {  	v2 =	vld [tilespmem:s15+$0x30]  }
0x40: {  	v3 =	vld [tilespmem:s15+$0x20];
	v4, _, _ =	vpop (xrf1)  }
0x41: {  	(xrf1) =	vsort.dscd.msk.f32 $0xffff, v1, v1;
	v1, _, _ =	vpop (xrf1)  }
0x42: {  	(xrf1) =	vsort.dscd.msk.f32 $0xffff, v7, v7;
	v5, _, _ =	vpop (xrf1)  }
0x43: {  	(xrf1) =	vsort.dscd.msk.f32 $0xffff, v6, v6;
	v5 =	vperm.xlane v5, v0  }
0x44: {  	v6, _, _ =	vpop (xrf1);
	(xrf1) =	vsort.dscd.msk.f32 $0xffff, v2, v2  }
0x45: {  	v1 =	vperm.xlane v1, v0;
	v2, _, _ =	vpop (xrf1);
	(xrf1) =	vsort.dscd.msk.f32 $0xffff, v3, v3;
	v3 =	vmax.f32 v6, v5  }
0x46: {  	s16 =	simm.s32 $0x380;
	v2 =	vperm.xlane v2, v0  }
0x47: {  	v7 =	vld [tilespmem:s16+$0x0];
	v1 =	vmax.f32 v4, v1;
	v5, _, _ =	vpop (xrf1);
	(xrf1) =	vsort.dscd.msk.f32 $0xffff, v3, v3  }
0x48: {  	v6 =	vld [tilespmem:s16+$0x10];
	v3, _, _ =	vpop (xrf1);
	(xrf1) =	vsort.dscd.msk.f32 $0xffff, v1, v1;
	v1 =	vmax.f32 v5, v2  }
0x49: {  	v4 =	vld [tilespmem:s16+$0x30];
	(xrf1) =	vsort.dscd.msk.f32 $0xffff, v1, v1;
	v1 =	vsel vm0, $0xFF800000, v3  }
0x4a: {  	v2 =	vld [tilespmem:s16+$0x20];
	v5, _, _ =	vpop (xrf1)  }
0x4b: {  	v3, _, _ =	vpop (xrf1);
	(xrf0) =	vmax.scan.msk.f32 $0xffff, v1  }
0x4c: {  	(xrf1) =	vsort.dscd.msk.f32 $0xffff, v7, v7;
	v1, _, _ =	vpop (xrf1)  }
0x4d: {  	(xrf1) =	vsort.dscd.msk.f32 $0xffff, v6, v6;
	v1 =	vperm.xlane v1, v0  }
0x4e: {  	v7 =	vperm.xlane v3, v0;
	(xrf1) =	vsort.dscd.msk.f32 $0xffff, v4, v4;
	v6, _, _ =	vpop (xrf1)  }
0x4f: {  	(xrf1) =	vsort.dscd.msk.f32 $0xffff, v2, v2;
	v1 =	vmax.f32 v6, v1  }
0x50: {  	v7 =	vmax.f32 v5, v7;
	v4, _, _ =	vpop (xrf1);
	(xrf1) =	vsort.dscd.msk.f32 $0xffff, v1, v1  }
0x51: {  	(xrf1) =	vsort.dscd.msk.f32 $0xffff, v7, v7  }
0x52: {  	v2 =	vperm.xlane v4, v0  }
0x53: {  	s17 =	simm.s32 $0x400  }
0x54: {  	v3 =	vld [tilespmem:s17+$0x0];
	v6, _, _ =	vpop (xrf1)  }
0x55: {  	v5 =	vld [tilespmem:s17+$0x30];
	v1, _, _ =	vpop (xrf1)  }
0x56: {  	s18 =	simm.s32 $0x1200;
	v4 =	vld [tilespmem:s17+$0x10];
	v6 =	vmax.f32 v6, v2;
	v2, _, _ =	vpop (xrf0)  }
.LBB2_2:
0x57: {  	_ = 	snop  }
0x58: {  	p0 =	sne.s32 s18, $0xFE00;
	v7 =	vld [tilespmem:s17+$0x20];
	v8, _, _ =	vpop (xrf1);
	v9 =	vsel vm0, $0xFF800000, v1;
	v2 =	vbroadcast v2, $0xF;
	s19 =	smov.u32 s17;
	(xrf1) =	vsort.dscd.msk.f32 $0xffff, v6, v6  }
0x59: {  	v6, _, _ =	vpop (xrf1);
	(xrf0) =	vmax.scan.msk.f32 $0xffff, v9  }
0x5a: {  	(xrf1) =	vsort.dscd.msk.f32 $0xffff, v3, v3;
	v1, _, _ =	vpop (xrf1);
	[tilespmem:s11+$0x4030] =	vst v2  }
.Ltmp0:
0x5b: {  	(xrf1) =	vsort.dscd.msk.f32 $0xffff, v4, v4;
	v10 =	vperm.xlane v1, v0;
	v4, _, _ =	vpop (xrf1);
	[tilespmem:s11+$0x4000] =	vst v2;
	(pc) =	sbr.rel @p0 .LBB2_2-.Ltmp0, $4  }
0x5c: {  	s17 =	sshra.s32 s18, $0x2;
	(xrf1) =	vsort.dscd.msk.f32 $0xffff, v5, v5;
	v5 =	vperm.xlane v6, v0;
	v6, _, _ =	vpop (xrf1);
	[tilespmem:s11+$0x4010] =	vst v2  }
0x5d: {  	v3 =	vld [tilespmem:s17+$0x0];
	(xrf1) =	vsort.dscd.msk.f32 $0xffff, v7, v7;
	v9 =	vmax.f32 v4, v10;
	v6 =	vperm.xlane v6, v0;
	v7, _, _ =	vpop (xrf1);
	[tilespmem:s11+$0x4020] =	vst v2;
	s11 =	smov.u32 s9;
	s9 =	smov.u32 s10;
	s10 =	smov.u32 s12  }
0x5e: {  	s12 =	smov.u32 s13;
	s13 =	smov.u32 s14;
	s14 =	smov.u32 s15;
	v4 =	vld [tilespmem:s17+$0x10];
	v8 =	vmax.f32 v8, v5;
	(xrf1) =	vsort.dscd.msk.f32 $0xffff, v9, v9;
	v1, _, _ =	vpop (xrf1)  }
0x5f: {  	s18 =	sadd.s32 $0x200, s18;
	s15 =	smov.u32 s16;
	s16 =	smov.u32 s19;
	v5 =	vld [tilespmem:s17+$0x30];
	(xrf1) =	vsort.dscd.msk.f32 $0xffff, v8, v8;
	v6 =	vmax.f32 v7, v6;
	v2, _, _ =	vpop (xrf0)  }
0x60: {  	_ = 	snop  }
0x61: {  	(xrf1) =	vsort.dscd.msk.f32 $0xffff, v6, v6  }
0x62: {  	v7 =	vld [tilespmem:s17+$0x20];
	v45, _, _ =	vpop (xrf1);
	(xrf1) =	vsort.dscd.msk.f32 $0xffff, v3, v3  }
0x63: {  	v3, _, _ =	vpop (xrf1);
	(xrf1) =	vsort.dscd.msk.f32 $0xffff, v4, v4  }
0x64: {  	v46, _, _ =	vpop (xrf1)  }
0x65: {  	(xrf1) =	vsort.dscd.msk.f32 $0xffff, v5, v5;
	v47, _, _ =	vpop (xrf1)  }
0x66: {  	v8, _, _ =	vpop (xrf1)  }
0x67: {  	(xrf1) =	vsort.dscd.msk.f32 $0xffff, v7, v7;
	v48, _, _ =	vpop (xrf1)  }
0x68: {  	v4 =	vperm.xlane v46, v0;
	v9, _, _ =	vpop (xrf1)  }
0x69: {  	v10, _, _ =	vpop (xrf1)  }
0x6a: {  	v3 =	vperm.xlane v3, v0;
	v4 =	vmax.f32 v47, v4;
	v11, _, _ =	vpop (xrf1)  }
0x6b: {  	(xrf1) =	vsort.dscd.msk.f32 $0xffff, v4, v4;
	v12, _, _ =	vpop (xrf1)  }
0x6c: {  	v3 =	vmax.f32 v45, v3;
	v49, _, _ =	vpop (xrf1)  }
0x6d: {  	v8 =	vperm.xlane v8, v0;
	(xrf1) =	vsort.dscd.msk.f32 $0xffff, v3, v3;
	v50, _, _ =	vpop (xrf1)  }
0x6e: {  	v3 =	vperm.xlane v12, v0;
	v51, _, _ =	vpop (xrf1)  }
0x6f: {  	v7 =	vmax.f32 v48, v8;
	v52, _, _ =	vpop (xrf1)  }
0x70: {  	v54 =	vperm.xlane v11, v0;
	v3 =	vmax.f32 v49, v3;
	v53, _, _ =	vpop (xrf1);
	(xrf1) =	vsort.dscd.msk.f32 $0xffff, v7, v7  }
0x71: {  	v55, _, _ =	vpop (xrf1);
	(xrf1) =	vsort.dscd.msk.f32 $0xffff, v3, v3  }
0x72: {  	v7 =	vmax.f32 v10, v54  }
0x73: {  	v4 =	vperm.xlane v50, v0;
	v3, _, _ =	vpop (xrf1);
	(xrf1) =	vsort.dscd.msk.f32 $0xffff, v7, v7  }
0x74: {  	v3 =	vperm.xlane v3, v0  }
0x75: {  	v4 =	vmax.f32 v51, v4;
	v56, _, _ =	vpop (xrf1)  }
0x76: {  	v1 =	vsel vm0, $0xFF800000, v1;
	v57 =	vperm.xlane v55, v0;
	(xrf1) =	vsort.dscd.msk.f32 $0xffff, v4, v4;
	v3 =	vmax.f32 v56, v3  }
0x77: {  	(xrf1) =	vsort.dscd.msk.f32 $0xffff, v3, v3  }
0x78: {  	(xrf0) =	vmax.scan.msk.f32 $0xffff, v1;
	v3 =	vmax.f32 v53, v57  }
0x79: {  	v1, _, _ =	vpop (xrf1);
	(xrf1) =	vsort.dscd.msk.f32 $0xffff, v3, v3  }
0x7a: {  	v1 =	vperm.xlane v1, v0  }
0x7b: {  	v58, _, _ =	vpop (xrf1);
	v3 =	vsel vm0, $0xFF800000, v9  }
0x7c: {  	v1 =	vmax.f32 v58, v1;
	_ =	sdelay $0x1  }
0x7d: {  	(xrf0) =	vmax.scan.msk.f32 $0xffff, v3;
	v3, _, _ =	vpop (xrf1)  }
0x7e: {  	(xrf1) =	vsort.dscd.msk.f32 $0xffff, v1, v1;
	v1, _, _ =	vpop (xrf1)  }
0x7f: {  	v2 =	vbroadcast v2, $0xF;
	v1 =	vperm.xlane v1, v0  }
0x80: {  	v61, _, _ =	vpop (xrf1)  }
0x81: {  	[tilespmem:s11+$0x4030] =	vst v2;
	v1 =	vmax.f32 v61, v1  }
0x82: {  	[tilespmem:s11+$0x4000] =	vst v2;
	v59, _, _ =	vpop (xrf0)  }
0x83: {  	[tilespmem:s11+$0x4010] =	vst v2;
	v60 =	vsel vm0, $0xFF800000, v52;
	v4 =	vbroadcast v59, $0xF;
	v62, _, _ =	vpop (xrf1);
	(xrf1) =	vsort.dscd.msk.f32 $0xffff, v1, v1  }
0x84: {  	[tilespmem:s11+$0x4020] =	vst v2;
	(xrf0) =	vmax.scan.msk.f32 $0xffff, v60;
	v1, _, _ =	vpop (xrf1)  }
0x85: {  	[tilespmem:s9+$0x4030] =	vst v4;
	v2, _, _ =	vpop (xrf0);
	v1 =	vperm.xlane v1, v0  }
0x86: {  	[tilespmem:s9+$0x4000] =	vst v4;
	v3 =	vsel vm0, $0xFF800000, v3;
	v63, _, _ =	vpop (xrf1)  }
0x87: {  	[tilespmem:s9+$0x4010] =	vst v4;
	v2 =	vbroadcast v2, $0xF;
	(xrf0) =	vmax.scan.msk.f32 $0xffff, v3;
	v1 =	vmax.f32 v63, v1  }
0x88: {  	[tilespmem:s9+$0x4020] =	vst v4;
	(xrf1) =	vsort.dscd.msk.f32 $0xffff, v1, v1  }
0x89: {  	[tilespmem:s10+$0x4030] =	vst v2  }
0x8a: {  	[tilespmem:s10+$0x4000] =	vst v2;
	v1, _, _ =	vpop (xrf0)  }
0x8b: {  	[tilespmem:s10+$0x4010] =	vst v2;
	v3 =	vsel vm0, $0xFF800000, v62;
	v1 =	vbroadcast v1, $0xF  }
0x8c: {  	[tilespmem:s10+$0x4020] =	vst v2;
	(xrf0) =	vmax.scan.msk.f32 $0xffff, v3  }
0x8d: {  	v2, _, _ =	vpop (xrf1);
	[tilespmem:s12+$0x4030] =	vst v1  }
0x8e: {  	v3, _, _ =	vpop (xrf0);
	v2 =	vsel vm0, $0xFF800000, v2;
	[tilespmem:s12+$0x4000] =	vst v1  }
0x8f: {  	v3 =	vbroadcast v3, $0xF;
	[tilespmem:s12+$0x4010] =	vst v1;
	(xrf0) =	vmax.scan.msk.f32 $0xffff, v2  }
0x90: {  	[tilespmem:s12+$0x4020] =	vst v1  }
0x91: {  	[tilespmem:s13+$0x4030] =	vst v3;
	v2, _, _ =	vpop (xrf1)  }
0x92: {  	[tilespmem:s13+$0x4000] =	vst v3;
	v1, _, _ =	vpop (xrf0);
	v2 =	vsel vm0, $0xFF800000, v2  }
0x93: {  	[tilespmem:s13+$0x4010] =	vst v3;
	v1 =	vbroadcast v1, $0xF  }
0x94: {  	[tilespmem:s13+$0x4020] =	vst v3;
	(xrf0) =	vmax.scan.msk.f32 $0xffff, v2  }
0x95: {  	[tilespmem:s14+$0x4030] =	vst v1;
	v2, _, _ =	vpop (xrf0)  }
0x96: {  	[tilespmem:s14+$0x4000] =	vst v1;
	v3, _, _ =	vpop (xrf1)  }
0x97: {  	[tilespmem:s14+$0x4010] =	vst v1;
	v2 =	vbroadcast v2, $0xF;
	v3 =	vsel vm0, $0xFF800000, v3  }
0x98: {  	[tilespmem:s14+$0x4020] =	vst v1;
	(xrf0) =	vmax.scan.msk.f32 $0xffff, v3  }
0x99: {  	[tilespmem:s15+$0x4030] =	vst v2  }
0x9a: {  	[tilespmem:s15+$0x4000] =	vst v2;
	v1, _, _ =	vpop (xrf0)  }
0x9b: {  	[tilespmem:s15+$0x4010] =	vst v2;
	v1 =	vbroadcast v1, $0xF  }
0x9c: {  	[tilespmem:s15+$0x4020] =	vst v2  }
0x9d: {  	[tilespmem:s16+$0x4030] =	vst v1  }
0x9e: {  	[tilespmem:s16+$0x4000] =	vst v1;
	v2, _, _ =	vpop (xrf0)  }
0x9f: {  	[tilespmem:s16+$0x4010] =	vst v1;
	v2 =	vbroadcast v2, $0xF  }
0xa0: {  	[tilespmem:s16+$0x4020] =	vst v1  }
0xa1: {  	[tilespmem:s17+$0x4030] =	vst v2  }
0xa2: {  	s8 =	sadd.s32 $0x1, s8;
	[tilespmem:s17+$0x4000] =	vst v2  }
0xa3: {  	p0 =	sne.s32 s8, s5;
	[tilespmem:s17+$0x4010] =	vst v2  }
.Ltmp1:
0xa4: {  	[tilespmem:s17+$0x4020] =	vst v2;
	(pc) =	sbr.rel @p0 .LBB2_1-.Ltmp1, $4  }
0xa5: {  	[hbm4b:s4+s2] =	stream.linear.scatter [tilespmem:s7], [sflag:$0x1], $0x4000, $0x38;
	[tilespmem:$0x8000] =	vst v63  }
0xa6: {  	_ =	swait.ge [sflag:s6], $0x4000  }
0xa7: {  	[sflag:s6] =	ssyncset.done $0x0  }
0xa8: {  	[sflag:s6] =	ssyncadd.s32 $0xFFFFC000  }
0xa9: {  	_ =	sfence.sel $0x180000  }
0xaa: {  	[bflag:$0x0] =	sbarrier.arrive $0xFFFF  }
0xab: {  	p0 =	sne.s32 s1, $0x0;
	_ =	strace $0x9000004A  }
0xac: {  	s0 =	sadd.s32 @!p0 $0x100000, s0;
	[bflag:$0x2] =	sbarrier.arrive $0xFFFF  }
0xad: {  	[sflag:s0] =	ssyncadd.tile.s32 @!p0 $0x1;
	_ =	shalt  }
.Lfunc_end2:
_tile_overlayer_lowered:
.L_overlay_start_2:
0xae: {  	(tag) =	ssettag $0x2  }
0xaf: {  	s0 =	rddreg [dreg:$0x0];
	s2 =	stileid.u32  }
0xb0: {  	s1 =	rddreg [dreg:$0x1];
	p0 =	sne.s32 s2, $0x0  }
0xb1: {  	s3 =	rddreg [dreg:$0x2];
	[bflag:$0x3] =	sbarrier.arrive $0xFFFF;
	s2 =	simm.s32 @!p0 $0x1C01  }
0xb2: {  	[timem:s3], [sflag:s2] =	dma.local @!p0 [hbm:s0], s1  }
0xb3: {  	s0 =	simm.s32 @!p0 $0x1  }
0xb4: {  	_ =	swait.ge @!p0 [sflag:s0], s1  }
0xb5: {  	s1 =	ssub.s32 @!p0 $0x0, s1;
	[sflag:s0] =	ssyncset.done @!p0 $0x0  }
0xb6: {  	[sflag:s0] =	ssyncadd.s32 @!p0 s1  }
0xb7: {  	[bflag:$0x3] =	sbarrier.arrive $0xFFFF  }
0xb8: {  	_ =	shalt  }

// kernel: kernel.8.cloned.1.call-start
scs
__scs_entry_jumppad:
0x0: {  	(pc) =	sbr.rel $0x88, $3  }
0x1: {  	(tag) =	ssettag $0x0;
	lr =	simm.s32 $0x1  }
0x2: {  	[smem:$0x3F9E] =	sst lr;
	_ =	strace $0xD0000000  }
0x3: {  	_ = 	snop  }
0x4: {  	_ = 	snop  }
0x5: {  	_ = 	snop  }
0x6: {  	_ = 	snop  }
0x7: {  	_ = 	snop  }
__scs_overlays_trampoline_lowered:
0x8: {  	[smem:$0x3FAD] =	sst s0  }
0x9: {  	[smem:$0x3FAE] =	sst s1  }
0xa: {  	[smem:$0x3FAF] =	sst s2  }
0xb: {  	[smem:$0x3FB0] =	sst s3  }
0xc: {  	[smem:$0x3FB1] =	sst s4  }
0xd: {  	[smem:$0x3FB2] =	sst s5  }
0xe: {  	[smem:$0x3FB3] =	sst s6  }
0xf: {  	[smem:$0x3FB4] =	sst s7  }
0x10: {  	[smem:$0x3FB5] =	sst s8  }
0x11: {  	[smem:$0x3FB6] =	sst s9;
	s0 =	simm.s32 @!p0 $0x0  }
0x12: {  	s1 =	sld [smem:$0x3F9C];
	s0 =	simm.s32 @p0 $0x1  }
0x13: {  	[smem:$0x3FB7] =	sst s0;
	s0 =	simm.s32 @!p1 $0x0  }
0x14: {  	s2 =	sld [smem:$0x3F9B];
	s0 =	simm.s32 @p1 $0x1  }
0x15: {  	[smem:$0x3FB8] =	sst s0;
	s0 =	simm.s32 @!p2 $0x0  }
0x16: {  	s3 =	sld [smem:$0x3FDB];
	s0 =	simm.s32 @p2 $0x1  }
0x17: {  	s4 =	simm.s32 $0x1BF5;
	[smem:$0x3FBA] =	sst s0  }
0x18: {  	s0 =	sld [smem:$0x3F9D];
	_ =	swait.ge [sflag:s4], $0x0  }
0x19: {  	s7 =	sld [smem:$0x3F9E]  }
0x1a: {  	s8 =	sadd.s32 $0xFFFFE003, lr  }
0x1b: {  	s9 =	sadd.s32 $0xFFFFFEF7, lr;
	s5 =	simm.s32 $0xFFFFFFFF;
	p2 =	slt.u32 s8, $0xFFFFF086  }
0x1c: {  	p1 =	slt.u32 s9, $0xF7A;
	s5 =	simm.s32 @!p2 $0x0  }
0x1d: {  	s5 =	simm.s32 @p1 $0x1;
	p0 =	seq.s32 s7, s2  }
0x1e: {  	s7 =	smul.u32 @!p0 $0xF7A, s2;
	p2 =	seq.s32 @!p0 s5, $0x0  }
0x1f: {  	s9 =	smul.u32 $0xF7A, s1;
	s8 =	simm.s32 @!p0 $0x1BF5;
	p2 =	por !p2, p0  }
0x20: {  	[sflag:s8] =	ssyncset.s32 @!p0 $0xFFFFF086;
	s6 =	sadd.s32 @!p0 s3, s7;
	s7 =	simm.s32 @!p0 $0x108  }
0x21: {  	s3 =	sadd.s32 s3, s9;
	s6 =	sadd.s32 @!p0 $0x88, s6;
	s7 =	simm.s32 @p2 $0x1082  }
0x22: {  	[simem:s7], [sflag:s8] =	dma.local @!p0 [hbm:s6], $0xF7A  }
0x23: {  	s9 =	sor.u32 $0xD0000000, s2;
	s6 =	simm.s32 $0x108;
	_ =	swait.ge @!p0 [sflag:s8], $0x0  }
0x24: {  	s3 =	sadd.s32 $0x88, s3;
	s6 =	simm.s32 @!p1 $0x1082;
	[sflag:s4] =	ssyncset.s32 $0xFFFFF086  }
0x25: {  	[simem:s6], [sflag:s4] =	dma.local [hbm:s3], $0xF7A  }
0x26: {  	[smem:$0x3F9E] =	sst s1;
	(tag) =	ssettag s2;
	_ =	strace s9  }
0x27: {  	s1 =	sld [smem:$0x3FAE]  }
0x28: {  	s2 =	sld [smem:$0x3FAF]  }
0x29: {  	s4 =	sld [smem:$0x3FB1]  }
0x2a: {  	p0 =	seq.s32 s5, $0x0;
	s5 =	sld [smem:$0x3FB2]  }
0x2b: {  	s6 =	sld [smem:$0x3FB3]  }
0x2c: {  	s7 =	sld [smem:$0x3FB4]  }
0x2d: {  	s3 =	simm.s32 $0x108;
	s8 =	sld [smem:$0x3FB5]  }
0x2e: {  	s3 =	simm.s32 @!p0 $0x1082;
	s9 =	sld [smem:$0x3FB6]  }
0x2f: {  	lr =	sadd.s32 s0, s3;
	s0 =	sld [smem:$0x3FAD]  }
0x30: {  	s3 =	sld [smem:$0x3FB0]  }
0x31: {  	[smem:$0x3FB9] =	sst s10  }
0x32: {  	s10 =	sld [smem:$0x3FB7];
	_ =	sdelay $0x3  }
0x33: {  	p0 =	seq.s32 s10, $0x1;
	s10 =	sld [smem:$0x3FB9];
	_ =	sdelay $0x3  }
0x34: {  	[smem:$0x3FB9] =	sst s10  }
0x35: {  	s10 =	sld [smem:$0x3FB8];
	_ =	sdelay $0x3  }
0x36: {  	p1 =	seq.s32 s10, $0x1;
	s10 =	sld [smem:$0x3FB9];
	_ =	sdelay $0x3  }
0x37: {  	[smem:$0x3FB9] =	sst s10  }
0x38: {  	s10 =	sld [smem:$0x3FBA]  }
0x39: {  	_ = 	snop;
	(pc) =	sbr.ind lr, $3  }
0x3a: {  	_ = 	snop  }
0x3b: {  	_ = 	snop  }
0x3c: {  	p2 =	seq.s32 s10, $0x1;
	s10 =	sld [smem:$0x3FB9]  }
0x3d: {  	_ =	shalt  }
0x3e: {  	_ =	shalt  }
0x3f: {  	_ =	shalt  }
0x40: {  	_ =	shalt  }
0x41: {  	_ =	shalt  }
0x42: {  	_ =	shalt  }
0x43: {  	_ =	shalt  }
0x44: {  	_ =	shalt  }
0x45: {  	_ =	shalt  }
0x46: {  	_ =	shalt  }
0x47: {  	_ =	shalt  }
0x48: {  	_ =	shalt  }
0x49: {  	_ =	shalt  }
0x4a: {  	_ =	shalt  }
0x4b: {  	_ =	shalt  }
0x4c: {  	_ =	shalt  }
0x4d: {  	_ =	shalt  }
0x4e: {  	_ =	shalt  }
0x4f: {  	_ =	shalt  }
0x50: {  	_ =	shalt  }
0x51: {  	_ =	shalt  }
0x52: {  	_ =	shalt  }
0x53: {  	_ =	shalt  }
0x54: {  	_ =	shalt  }
0x55: {  	_ =	shalt  }
0x56: {  	_ =	shalt  }
0x57: {  	_ =	shalt  }
0x58: {  	_ =	shalt  }
0x59: {  	_ =	shalt  }
0x5a: {  	_ =	shalt  }
0x5b: {  	_ =	shalt  }
0x5c: {  	_ =	shalt  }
0x5d: {  	_ =	shalt  }
0x5e: {  	_ =	shalt  }
0x5f: {  	_ =	shalt  }
0x60: {  	_ =	shalt  }
0x61: {  	_ =	shalt  }
0x62: {  	_ =	shalt  }
0x63: {  	_ =	shalt  }
0x64: {  	_ =	shalt  }
0x65: {  	_ =	shalt  }
0x66: {  	_ =	shalt  }
0x67: {  	_ =	shalt  }
0x68: {  	_ =	shalt  }
0x69: {  	_ =	shalt  }
0x6a: {  	_ =	shalt  }
0x6b: {  	_ =	shalt  }
0x6c: {  	_ =	shalt  }
0x6d: {  	_ =	shalt  }
0x6e: {  	_ =	shalt  }
0x6f: {  	_ =	shalt  }
0x70: {  	_ =	shalt  }
0x71: {  	_ =	shalt  }
0x72: {  	_ =	shalt  }
0x73: {  	_ =	shalt  }
0x74: {  	_ =	shalt  }
0x75: {  	_ =	shalt  }
0x76: {  	_ =	shalt  }
0x77: {  	_ =	shalt  }
0x78: {  	_ =	shalt  }
0x79: {  	_ =	shalt  }
0x7a: {  	_ =	shalt  }
0x7b: {  	_ =	shalt  }
0x7c: {  	_ =	shalt  }
0x7d: {  	_ =	shalt  }
0x7e: {  	_ =	shalt  }
0x7f: {  	_ =	shalt  }
0x80: {  	_ =	shalt  }
0x81: {  	_ =	shalt  }
0x82: {  	_ =	shalt  }
0x83: {  	_ =	shalt  }
0x84: {  	_ =	shalt  }
0x85: {  	_ =	shalt  }
0x86: {  	_ =	shalt  }
0x87: {  	_ =	shalt  }
.Lfunc_end0:
.L_simem_size_0:
called_computation_lowered:
.L_overlay_start_0:
0x88: {  	s2 =	sld [smem:$0x3FD9]  }
0x89: {  	s3 =	sld [smem:$0x3FFE];
	_ =	sdelay $0x1  }
0x8a: {  	s1 =	srdreg.scid  }
0x8b: {  	s0 =	sand.u32 $0x1, s1  }
0x8c: {  	s16 =	sshll.u32 s0, $0xA;
	s2 =	sadd.s32 s3, s2  }
0x8d: {  	s2 =	sadd.s32 s2, s16  }
0x8e: {  	[smem:$0x3FC5] =	sst s2  }
0x8f: {  	_ = 	snop  }
0x90: {  	(tm) =	ssettm $0x1  }
0x91: {  	s17 =	sld [smem:$0x3FFB];
	_ =	sdelay $0x3  }
0x92: {  	_ =	strace s17  }
0x93: {  	s2 =	sld [smem:$0x3FFC];
	_ =	sdelay $0x3  }
0x94: {  	_ =	strace s2  }
0x95: {  	s2 =	sld [smem:$0x3FFD];
	_ =	sdelay $0x3  }
0x96: {  	_ =	strace s2  }
0x97: {  	_ =	strace $0x8FFFFFFF  }
0x98: {  	s18 =	sld [smem:$0x3FDB];
	_ =	sdelay $0x1  }
0x99: {  	s19 =	simm.s32 $_scs_section_size  }
0x9a: {  	s4 =	simm.s32 $_size__tile_overlayer_lowered;
	s5 =	simm.s32 $_tile_overlayer_lowered  }
0x9b: {  	s22 =	simm.s32 $0x1BFF;
	s21 =	sshll.u32 s5, $0x1;
	s2 =	sadd.s32 s19, s18  }
0x9c: {  	s6 =	simm.s32 $0x0;
	s20 =	sshll.u32 s4, $0x1;
	s4 =	sadd.s32 s21, s2  }
0x9d: {  	[timem:s6], [sflag:s22] =	dma.local [hbm:s4], s20  }
0x9e: {  	_ =	swait.ge [sflag:s22], s20  }
0x9f: {  	s3 =	ssub.s32 $0x0, s20;
	[sflag:s22] =	ssyncset.done $0x0  }
0xa0: {  	[sflag:s22] =	ssyncadd.s32 s3;
	_ =	sdelay $0x1  }
0xa1: {  	s23 =	simm.s32 $0x1B8B  }
0xa2: {  	_ =	swait.ge [sflag:s23], $0x1  }
0xa3: {  	[sflag:s23] =	ssyncset.done $0x0  }
0xa4: {  	s25 =	simm.s32 $0x1B8E;
	s24 =	sld [smem:$0x3FFE];
	[sflag:s23] =	ssyncadd.s32 $0xFFFFFFFF  }
0xa5: {  	s26 =	simm.s32 $execute0_lowered;
	[smem:$0x3FD2] =	sst s25  }
0xa6: {  	s4 =	sshll.u32 s26, $0x1;
	_ =	strace $0x80000046;
	[dreg:$0x1] =	wrdreg $0xFFFFFFFF  }
0xa7: {  	s28 =	simm.s32 $_size_execute0_lowered;
	s2 =	sadd.s32 s2, s4;
	[dreg:$0x0] =	wrdreg $0x0  }
0xa8: {  	s4 =	sshll.u32 s28, $0x1;
	[dreg:$0x2] =	wrdreg s2  }
0xa9: {  	[dreg:$0x3] =	wrdreg s4  }
0xaa: {  	[dreg:$0x4] =	wrdreg $0xC0  }
0xab: {  	_ =	task [dreg:s6], $0x5FFFF  }
0xac: {  	[dreg:$0x1] =	wrdreg $0xFFFFFFFF  }
0xad: {  	[dreg:$0x0] =	wrdreg $0x60  }
0xae: {  	[dreg:$0x2] =	wrdreg s24  }
0xaf: {  	[dreg:$0x3] =	wrdreg $0x9  }
0xb0: {  	_ =	task.clear_ibuf [dreg:s6], $0x4FFFF;
	_ =	strace $0x90000046  }
0xb1: {  	s29 =	simm.s32 $0x9;
	_ =	strace $0x80000048  }
0xb2: {  	_ =	swait.ge [sflag:s29], $0x1  }
0xb3: {  	[sflag:s29] =	ssyncadd.s32 $0xFFFFFFFF  }
0xb4: {  	_ =	strace $0x90000048  }
0xb5: {  	_ =	sfence  }
0xb6: {  	s30 =	sld [smem:$0x0];
	_ =	sdelay $0x2  }
0xb7: {  	s31 =	sshll.u32 s1, $0xD;
	s1 =	sshrl.u32 s1, $0x2  }
0xb8: {  	s3 =	sand.u32 $0x4000, s31;
	s1 =	sadd.s32 s1, s30  }
0xb9: {  	s0 =	sor.u32 s3, s0;
	s1 =	sshll.u32 s1, $0x11  }
0xba: {  	s0 =	sor.u32 s1, s0  }
0xbb: {  	s0 =	sadd.s32 $0x8F2B, s0  }
0xbc: {  	[sflag:s0] =	ssyncadd.remote.s32 $0x1  }
0xbd: {  	_ =	sfence.sel $0xFFFF  }
0xbe: {  	[dreg:$0x0] =	wrdreg $0xFFFFFFFF;
	(pc) =	sbr.abs _section_cstart, $3  }
0xbf: {  	[dreg:$0x1] =	wrdreg $0xFFFFFFFF  }
0xc0: {  	_ =	task.clear_ibuf [dreg:s6], $0x2FFFF;
	_ =	strace $0x9FFFFFFF  }
0xc1: {  	(tm) =	ssettm $0x7FFFFFFF  }
tec
execute0_lowered:
.L_overlay_start_1:
0x0: {  	(tag) =	ssettag $0x1  }
0x1: {  	s3 =	rddreg [dreg:$0x0]  }
0x2: {  	s0 =	rddreg [dreg:$0x1];
	s4 =	srdreg.scid  }
0x3: {  	s2 =	simm.s32 $0x0;
	s1 =	stileid.u32;
	s4 =	sand.u32 $0x1, s4  }
0x4: {  	s7 =	simm.s32 $0x4000;
	s5 =	sshll.u32 s1, $0xC;
	s6 =	sshll.u32 s4, $0xB  }
0x5: {  	v0 =	vlaneseq.u32;
	s8 =	simm.s32 $0x0;
	s4 =	ssub.s32 $0x2, s4;
	s5 =	sor.u32 s6, s5  }
0x6: {  	[smem:$0x7FF] =	sst s2;
	v0 =	vmul.u32 $0xFFFFFFFF, v0;
	s31 =	sshrl.u32 s4, $0x1;
	s5 =	sadd.s32 s5, s3  }
0x7: {  	_ =	strace $0x80000047;
	s6 =	ssub.s32 s4, s31;
	s3 =	sadd.s32 $0x1A00, s5  }
0x8: {  	vm0 =	vcmask $0x1B20;
	v0 =	vadd.s32 $0xF, v0;
	s4 =	sadd.s32 $0x11A00, s5;
	s5 =	smax.u32 s6, $0x1;
	s6 =	simm.s32 $0x1  }
.LBB2_1:
0x9: {  	[tilespmem:s2], [sflag:$0x1] =	stream.linear.gather [hbm4b:s3+s2], $0x4000, $0x38;
	[tilespmem:$0x8000] =	vst v63  }
0xa: {  	_ =	swait.ge [sflag:s6], $0x4000  }
0xb: {  	[sflag:s6] =	ssyncset.done $0x0  }
0xc: {  	s11 =	simm.s32 $0x0;
	[sflag:s6] =	ssyncadd.s32 $0xFFFFC000  }
0xd: {  	v1 =	vld [tilespmem:s11+$0x0]  }
0xe: {  	v2 =	vld [tilespmem:s11+$0x10];
	_ =	sdelay $0x1  }
0xf: {  	v3 =	vld [tilespmem:s11+$0x30];
	_ =	sdelay $0x1  }
0x10: {  	v4 =	vld [tilespmem:s11+$0x20];
	(xrf1) =	vsort.dscd.msk.f32 $0xffff, v1, v1  }
0x11: {  	(xrf1) =	vsort.dscd.msk.f32 $0xffff, v2, v2  }
0x12: {  	s9 =	simm.s32 $0x80  }
0x13: {  	v1 =	vld [tilespmem:s9+$0x0];
	(xrf1) =	vsort.dscd.msk.f32 $0xffff, v3, v3  }
0x14: {  	v2 =	vld [tilespmem:s9+$0x10]  }
0x15: {  	v3 =	vld [tilespmem:s9+$0x30];
	(xrf1) =	vsort.dscd.msk.f32 $0xffff, v4, v4;
	_ =	sdelay $0x1  }
0x16: {  	v4 =	vld [tilespmem:s9+$0x20]  }
0x17: {  	(xrf1) =	vsort.dscd.msk.f32 $0xffff, v1, v1  }
0x18: {  	s10 =	simm.s32 $0x100;
	(xrf1) =	vsort.dscd.msk.f32 $0xffff, v2, v2  }
0x19: {  	v1 =	vld [tilespmem:s10+$0x0];
	(xrf1) =	vsort.dscd.msk.f32 $0xffff, v3, v3  }
0x1a: {  	v2 =	vld [tilespmem:s10+$0x10]  }
0x1b: {  	v3 =	vld [tilespmem:s10+$0x30];
	(xrf1) =	vsort.dscd.msk.f32 $0xffff, v4, v4;
	_ =	sdelay $0x1  }
0x1c: {  	v4 =	vld [tilespmem:s10+$0x20];
	v5, _, _ =	vpop (xrf1)  }
0x1d: {  	v6, _, _ =	vpop (xrf1);
	(xrf1) =	vsort.dscd.msk.f32 $0xffff, v1, v1  }
0x1e: {  	(xrf1) =	vsort.dscd.msk.f32 $0xffff, v2, v2  }
0x1f: {  	v1, _, _ =	vpop (xrf1);
	(xrf1) =	vsort.dscd.msk.f32 $0xffff, v3, v3  }
0x20: {  	s12 =	simm.s32 $0x180;
	v6 =	vperm.xlane v6, v0;
	v1 =	vperm.xlane v1, v0  }
0x21: {  	v2, _, _ =	vpop (xrf1);
	v3 =	vld [tilespmem:s12+$0x0];
	(xrf1) =	vsort.dscd.msk.f32 $0xffff, v4, v4  }
0x22: {  	v4 =	vmax.f32 v5, v6;
	v1 =	vmax.f32 v2, v1;
	v2 =	vld [tilespmem:s12+$0x10]  }
0x23: {  	(xrf1) =	vsort.dscd.msk.f32 $0xffff, v1, v1;
	v1 =	vld [tilespmem:s12+$0x30]  }
0x24: {  	v5 =	vld [tilespmem:s12+$0x20];
	v6, _, _ =	vpop (xrf1)  }
0x25: {  	(xrf1) =	vsort.dscd.msk.f32 $0xffff, v4, v4;
	v4, _, _ =	vpop (xrf1)  }
0x26: {  	(xrf1) =	vsort.dscd.msk.f32 $0xffff, v3, v3;
	v3, _, _ =	vpop (xrf1)  }
0x27: {  	s13 =	simm.s32 $0x200;
	(xrf1) =	vsort.dscd.msk.f32 $0xffff, v2, v2;
	v2 =	vperm.xlane v3, v0  }
0x28: {  	v3, _, _ =	vpop (xrf1);
	(xrf1) =	vsort.dscd.msk.f32 $0xffff, v1, v1;
	v1 =	vperm.xlane v4, v0;
	v4 =	vld [tilespmem:s13+$0x0]  }
0x29: {  	(xrf1) =	vsort.dscd.msk.f32 $0xffff, v5, v5;
	v2 =	vmax.f32 v3, v2;
	v3 =	vld [tilespmem:s13+$0x10]  }
0x2a: {  	(xrf1) =	vsort.dscd.msk.f32 $0xffff, v2, v2;
	v1 =	vmax.f32 v6, v1;
	v2 =	vld [tilespmem:s13+$0x30]  }
0x2b: {  	(xrf1) =	vsort.dscd.msk.f32 $0xffff, v1, v1;
	v1 =	vld [tilespmem:s13+$0x20];
	v5, _, _ =	vpop (xrf1)  }
0x2c: {  	v6, _, _ =	vpop (xrf1)  }
0x2d: {  	(xrf1) =	vsort.dscd.msk.f32 $0xffff, v4, v4;
	v4, _, _ =	vpop (xrf1)  }
0x2e: {  	(xrf1) =	vsort.dscd.msk.f32 $0xffff, v3, v3;
	v3 =	vperm.xlane v4, v0  }
0x2f: {  	v4, _, _ =	vpop (xrf1);
	(xrf1) =	vsort.dscd.msk.f32 $0xffff, v2, v2  }
0x30: {  	(xrf1) =	vsort.dscd.msk.f32 $0xffff, v1, v1;
	v1 =	vmax.f32 v4, v3  }
0x31: {  	v2 =	vperm.xlane v6, v0;
	v6, _, _ =	vpop (xrf1)  }
0x32: {  	s14 =	simm.s32 $0x280;
	v3 =	vperm.xlane v6, v0  }
0x33: {  	v7 =	vld [tilespmem:s14+$0x0];
	(xrf1) =	vsort.dscd.msk.f32 $0xffff, v1, v1;
	v1, _, _ =	vpop (xrf1)  }
0x34: {  	v4 =	vld [tilespmem:s14+$0x10];
	v1 =	vmax.f32 v1, v3  }
0x35: {  	v2 =	vmax.f32 v5, v2;
	v5 =	vld [tilespmem:s14+$0x30]  }
0x36: {  	(xrf1) =	vsort.dscd.msk.f32 $0xffff, v2, v2;
	v2 =	vld [tilespmem:s14+$0x20];
	v3, _, _ =	vpop (xrf1)  }
0x37: {  	(xrf1) =	vsort.dscd.msk.f32 $0xffff, v1, v1;
	v1, _, _ =	vpop (xrf1)  }
0x38: {  	(xrf1) =	vsort.dscd.msk.f32 $0xffff, v7, v7;
	v6, _, _ =	vpop (xrf1)  }
0x39: {  	(xrf1) =	vsort.dscd.msk.f32 $0xffff, v4, v4;
	v4 =	vperm.xlane v6, v0;
	v6, _, _ =	vpop (xrf1)  }
0x3a: {  	v1 =	vperm.xlane v1, v0;
	(xrf1) =	vsort.dscd.msk.f32 $0xffff, v5, v5;
	v5, _, _ =	vpop (xrf1)  }
0x3b: {  	s15 =	simm.s32 $0x300;
	(xrf1) =	vsort.dscd.msk.f32 $0xffff, v2, v2;
	v2 =	vmax.f32 v6, v4;
	v4 =	vperm.xlane v5, v0  }
0x3c: {  	v7 =	vld [tilespmem:s15+$0x0];
	v1 =	vmax.f32 v3, v1;
	v5, _, _ =	vpop (xrf1);
	(xrf1) =	vsort.dscd.msk.f32 $0xffff, v2, v2  }
0x3d: {  	v6 =	vld [tilespmem:s15+$0x10];
	(xrf1) =	vsort.dscd.msk.f32 $0xffff, v1, v1;
	v1 =	vmax.f32 v5, v4  }
0x3e: {  	v2 =	vld [tilespmem:s15+$0x30]  }
0x3f: {  	v3 =	vld [tilespmem:s15+$0x20];
	v4, _, _ =	vpop (xrf1)  }
0x40: {  	(xrf1) =	vsort.dscd.msk.f32 $0xffff, v1, v1;
	v1, _, _ =	vpop (xrf1)  }
0x41: {  	(xrf1) =	vsort.dscd.msk.f32 $0xffff, v7, v7;
	v5, _, _ =	vpop (xrf1)  }
0x42: {  	(xrf1) =	vsort.dscd.msk.f32 $0xffff, v6, v6;
	v5 =	vperm.xlane v5, v0  }
0x43: {  	v6, _, _ =	vpop (xrf1);
	(xrf1) =	vsort.dscd.msk.f32 $0xffff, v2, v2  }
0x44: {  	v1 =	vperm.xlane v1, v0;
	v2, _, _ =	vpop (xrf1);
	(xrf1) =	vsort.dscd.msk.f32 $0xffff, v3, v3;
	v3 =	vmax.f32 v6, v5  }
0x45: {  	s16 =	simm.s32 $0x380;
	v2 =	vperm.xlane v2, v0  }
0x46: {  	v7 =	vld [tilespmem:s16+$0x0];
	v1 =	vmax.f32 v4, v1;
	v5, _, _ =	vpop (xrf1);
	(xrf1) =	vsort.dscd.msk.f32 $0xffff, v3, v3  }
0x47: {  	v6 =	vld [tilespmem:s16+$0x10];
	v3, _, _ =	vpop (xrf1);
	(xrf1) =	vsort.dscd.msk.f32 $0xffff, v1, v1;
	v1 =	vmax.f32 v5, v2  }
0x48: {  	v4 =	vld [tilespmem:s16+$0x30];
	(xrf1) =	vsort.dscd.msk.f32 $0xffff, v1, v1;
	v1 =	vsel vm0, $0xFF800000, v3  }
0x49: {  	v2 =	vld [tilespmem:s16+$0x20];
	v5, _, _ =	vpop (xrf1)  }
0x4a: {  	v3, _, _ =	vpop (xrf1);
	(xrf0) =	vmax.scan.msk.f32 $0xffff, v1  }
0x4b: {  	(xrf1) =	vsort.dscd.msk.f32 $0xffff, v7, v7;
	v1, _, _ =	vpop (xrf1)  }
0x4c: {  	(xrf1) =	vsort.dscd.msk.f32 $0xffff, v6, v6;
	v1 =	vperm.xlane v1, v0  }
0x4d: {  	v7 =	vperm.xlane v3, v0;
	(xrf1) =	vsort.dscd.msk.f32 $0xffff, v4, v4;
	v6, _, _ =	vpop (xrf1)  }
0x4e: {  	(xrf1) =	vsort.dscd.msk.f32 $0xffff, v2, v2;
	v1 =	vmax.f32 v6, v1  }
0x4f: {  	v7 =	vmax.f32 v5, v7;
	v4, _, _ =	vpop (xrf1);
	(xrf1) =	vsort.dscd.msk.f32 $0xffff, v1, v1  }
0x50: {  	(xrf1) =	vsort.dscd.msk.f32 $0xffff, v7, v7  }
0x51: {  	v2 =	vperm.xlane v4, v0  }
0x52: {  	s17 =	simm.s32 $0x400  }
0x53: {  	v3 =	vld [tilespmem:s17+$0x0];
	v6, _, _ =	vpop (xrf1)  }
0x54: {  	v5 =	vld [tilespmem:s17+$0x30];
	v1, _, _ =	vpop (xrf1)  }
0x55: {  	s18 =	simm.s32 $0x1200;
	v4 =	vld [tilespmem:s17+$0x10];
	v6 =	vmax.f32 v6, v2;
	v2, _, _ =	vpop (xrf0)  }
.LBB2_2:
0x56: {  	_ = 	snop  }
0x57: {  	p0 =	sne.s32 s18, $0xFE00;
	v7 =	vld [tilespmem:s17+$0x20];
	v8, _, _ =	vpop (xrf1);
	v9 =	vsel vm0, $0xFF800000, v1;
	v2 =	vbroadcast v2, $0xF;
	s19 =	smov.u32 s17;
	(xrf1) =	vsort.dscd.msk.f32 $0xffff, v6, v6  }
0x58: {  	v6, _, _ =	vpop (xrf1);
	(xrf0) =	vmax.scan.msk.f32 $0xffff, v9  }
0x59: {  	(xrf1) =	vsort.dscd.msk.f32 $0xffff, v3, v3;
	v1, _, _ =	vpop (xrf1);
	[tilespmem:s11+$0x4030] =	vst v2  }
.Ltmp0:
0x5a: {  	(xrf1) =	vsort.dscd.msk.f32 $0xffff, v4, v4;
	v10 =	vperm.xlane v1, v0;
	v4, _, _ =	vpop (xrf1);
	[tilespmem:s11+$0x4000] =	vst v2;
	(pc) =	sbr.rel @p0 .LBB2_2-.Ltmp0, $4  }
0x5b: {  	s17 =	sshra.s32 s18, $0x2;
	(xrf1) =	vsort.dscd.msk.f32 $0xffff, v5, v5;
	v5 =	vperm.xlane v6, v0;
	v6, _, _ =	vpop (xrf1);
	[tilespmem:s11+$0x4010] =	vst v2  }
0x5c: {  	v3 =	vld [tilespmem:s17+$0x0];
	(xrf1) =	vsort.dscd.msk.f32 $0xffff, v7, v7;
	v9 =	vmax.f32 v4, v10;
	v6 =	vperm.xlane v6, v0;
	v7, _, _ =	vpop (xrf1);
	[tilespmem:s11+$0x4020] =	vst v2;
	s11 =	smov.u32 s9;
	s9 =	smov.u32 s10;
	s10 =	smov.u32 s12  }
0x5d: {  	s12 =	smov.u32 s13;
	s13 =	smov.u32 s14;
	s14 =	smov.u32 s15;
	v4 =	vld [tilespmem:s17+$0x10];
	v8 =	vmax.f32 v8, v5;
	(xrf1) =	vsort.dscd.msk.f32 $0xffff, v9, v9;
	v1, _, _ =	vpop (xrf1)  }
0x5e: {  	s18 =	sadd.s32 $0x200, s18;
	s15 =	smov.u32 s16;
	s16 =	smov.u32 s19;
	v5 =	vld [tilespmem:s17+$0x30];
	(xrf1) =	vsort.dscd.msk.f32 $0xffff, v8, v8;
	v6 =	vmax.f32 v7, v6;
	v2, _, _ =	vpop (xrf0)  }
0x5f: {  	_ = 	snop  }
0x60: {  	(xrf1) =	vsort.dscd.msk.f32 $0xffff, v6, v6  }
0x61: {  	v7 =	vld [tilespmem:s17+$0x20];
	v45, _, _ =	vpop (xrf1);
	(xrf1) =	vsort.dscd.msk.f32 $0xffff, v3, v3  }
0x62: {  	v3, _, _ =	vpop (xrf1);
	(xrf1) =	vsort.dscd.msk.f32 $0xffff, v4, v4  }
0x63: {  	v46, _, _ =	vpop (xrf1)  }
0x64: {  	(xrf1) =	vsort.dscd.msk.f32 $0xffff, v5, v5;
	v47, _, _ =	vpop (xrf1)  }
0x65: {  	v8, _, _ =	vpop (xrf1)  }
0x66: {  	(xrf1) =	vsort.dscd.msk.f32 $0xffff, v7, v7;
	v48, _, _ =	vpop (xrf1)  }
0x67: {  	v4 =	vperm.xlane v46, v0;
	v9, _, _ =	vpop (xrf1)  }
0x68: {  	v10, _, _ =	vpop (xrf1)  }
0x69: {  	v3 =	vperm.xlane v3, v0;
	v4 =	vmax.f32 v47, v4;
	v11, _, _ =	vpop (xrf1)  }
0x6a: {  	(xrf1) =	vsort.dscd.msk.f32 $0xffff, v4, v4;
	v12, _, _ =	vpop (xrf1)  }
0x6b: {  	v3 =	vmax.f32 v45, v3;
	v49, _, _ =	vpop (xrf1)  }
0x6c: {  	v8 =	vperm.xlane v8, v0;
	(xrf1) =	vsort.dscd.msk.f32 $0xffff, v3, v3;
	v50, _, _ =	vpop (xrf1)  }
0x6d: {  	v3 =	vperm.xlane v12, v0;
	v51, _, _ =	vpop (xrf1)  }
0x6e: {  	v7 =	vmax.f32 v48, v8;
	v52, _, _ =	vpop (xrf1)  }
0x6f: {  	v54 =	vperm.xlane v11, v0;
	v3 =	vmax.f32 v49, v3;
	v53, _, _ =	vpop (xrf1);
	(xrf1) =	vsort.dscd.msk.f32 $0xffff, v7, v7  }
0x70: {  	v55, _, _ =	vpop (xrf1);
	(xrf1) =	vsort.dscd.msk.f32 $0xffff, v3, v3  }
0x71: {  	v7 =	vmax.f32 v10, v54  }
0x72: {  	v4 =	vperm.xlane v50, v0;
	v3, _, _ =	vpop (xrf1);
	(xrf1) =	vsort.dscd.msk.f32 $0xffff, v7, v7  }
0x73: {  	v3 =	vperm.xlane v3, v0  }
0x74: {  	v4 =	vmax.f32 v51, v4;
	v56, _, _ =	vpop (xrf1)  }
0x75: {  	v1 =	vsel vm0, $0xFF800000, v1;
	v57 =	vperm.xlane v55, v0;
	(xrf1) =	vsort.dscd.msk.f32 $0xffff, v4, v4;
	v3 =	vmax.f32 v56, v3  }
0x76: {  	(xrf1) =	vsort.dscd.msk.f32 $0xffff, v3, v3  }
0x77: {  	(xrf0) =	vmax.scan.msk.f32 $0xffff, v1;
	v3 =	vmax.f32 v53, v57  }
0x78: {  	v1, _, _ =	vpop (xrf1);
	(xrf1) =	vsort.dscd.msk.f32 $0xffff, v3, v3  }
0x79: {  	v1 =	vperm.xlane v1, v0  }
0x7a: {  	v58, _, _ =	vpop (xrf1);
	v3 =	vsel vm0, $0xFF800000, v9  }
0x7b: {  	v1 =	vmax.f32 v58, v1;
	_ =	sdelay $0x1  }
0x7c: {  	(xrf0) =	vmax.scan.msk.f32 $0xffff, v3;
	v3, _, _ =	vpop (xrf1)  }
0x7d: {  	(xrf1) =	vsort.dscd.msk.f32 $0xffff, v1, v1;
	v1, _, _ =	vpop (xrf1)  }
0x7e: {  	v2 =	vbroadcast v2, $0xF;
	v1 =	vperm.xlane v1, v0  }
0x7f: {  	v61, _, _ =	vpop (xrf1)  }
0x80: {  	[tilespmem:s11+$0x4030] =	vst v2;
	v1 =	vmax.f32 v61, v1  }
0x81: {  	[tilespmem:s11+$0x4000] =	vst v2;
	v59, _, _ =	vpop (xrf0)  }
0x82: {  	[tilespmem:s11+$0x4010] =	vst v2;
	v60 =	vsel vm0, $0xFF800000, v52;
	v4 =	vbroadcast v59, $0xF;
	v62, _, _ =	vpop (xrf1);
	(xrf1) =	vsort.dscd.msk.f32 $0xffff, v1, v1  }
0x83: {  	[tilespmem:s11+$0x4020] =	vst v2;
	(xrf0) =	vmax.scan.msk.f32 $0xffff, v60;
	v1, _, _ =	vpop (xrf1)  }
0x84: {  	[tilespmem:s9+$0x4030] =	vst v4;
	v2, _, _ =	vpop (xrf0);
	v1 =	vperm.xlane v1, v0  }
0x85: {  	[tilespmem:s9+$0x4000] =	vst v4;
	v3 =	vsel vm0, $0xFF800000, v3;
	v63, _, _ =	vpop (xrf1)  }
0x86: {  	[tilespmem:s9+$0x4010] =	vst v4;
	v2 =	vbroadcast v2, $0xF;
	(xrf0) =	vmax.scan.msk.f32 $0xffff, v3;
	v1 =	vmax.f32 v63, v1  }
0x87: {  	[tilespmem:s9+$0x4020] =	vst v4;
	(xrf1) =	vsort.dscd.msk.f32 $0xffff, v1, v1  }
0x88: {  	[tilespmem:s10+$0x4030] =	vst v2  }
0x89: {  	[tilespmem:s10+$0x4000] =	vst v2;
	v1, _, _ =	vpop (xrf0)  }
0x8a: {  	[tilespmem:s10+$0x4010] =	vst v2;
	v3 =	vsel vm0, $0xFF800000, v62;
	v1 =	vbroadcast v1, $0xF  }
0x8b: {  	[tilespmem:s10+$0x4020] =	vst v2;
	(xrf0) =	vmax.scan.msk.f32 $0xffff, v3  }
0x8c: {  	v2, _, _ =	vpop (xrf1);
	[tilespmem:s12+$0x4030] =	vst v1  }
0x8d: {  	v3, _, _ =	vpop (xrf0);
	v2 =	vsel vm0, $0xFF800000, v2;
	[tilespmem:s12+$0x4000] =	vst v1  }
0x8e: {  	v3 =	vbroadcast v3, $0xF;
	[tilespmem:s12+$0x4010] =	vst v1;
	(xrf0) =	vmax.scan.msk.f32 $0xffff, v2  }
0x8f: {  	[tilespmem:s12+$0x4020] =	vst v1  }
0x90: {  	[tilespmem:s13+$0x4030] =	vst v3;
	v2, _, _ =	vpop (xrf1)  }
0x91: {  	[tilespmem:s13+$0x4000] =	vst v3;
	v1, _, _ =	vpop (xrf0);
	v2 =	vsel vm0, $0xFF800000, v2  }
0x92: {  	[tilespmem:s13+$0x4010] =	vst v3;
	v1 =	vbroadcast v1, $0xF  }
0x93: {  	[tilespmem:s13+$0x4020] =	vst v3;
	(xrf0) =	vmax.scan.msk.f32 $0xffff, v2  }
0x94: {  	[tilespmem:s14+$0x4030] =	vst v1;
	v2, _, _ =	vpop (xrf0)  }
0x95: {  	[tilespmem:s14+$0x4000] =	vst v1;
	v3, _, _ =	vpop (xrf1)  }
0x96: {  	[tilespmem:s14+$0x4010] =	vst v1;
	v2 =	vbroadcast v2, $0xF;
	v3 =	vsel vm0, $0xFF800000, v3  }
0x97: {  	[tilespmem:s14+$0x4020] =	vst v1;
	(xrf0) =	vmax.scan.msk.f32 $0xffff, v3  }
0x98: {  	[tilespmem:s15+$0x4030] =	vst v2  }
0x99: {  	[tilespmem:s15+$0x4000] =	vst v2;
	v1, _, _ =	vpop (xrf0)  }
0x9a: {  	[tilespmem:s15+$0x4010] =	vst v2;
	v1 =	vbroadcast v1, $0xF  }
0x9b: {  	[tilespmem:s15+$0x4020] =	vst v2  }
0x9c: {  	[tilespmem:s16+$0x4030] =	vst v1  }
0x9d: {  	[tilespmem:s16+$0x4000] =	vst v1;
	v2, _, _ =	vpop (xrf0)  }
0x9e: {  	[tilespmem:s16+$0x4010] =	vst v1;
	v2 =	vbroadcast v2, $0xF  }
0x9f: {  	[tilespmem:s16+$0x4020] =	vst v1  }
0xa0: {  	[tilespmem:s17+$0x4030] =	vst v2  }
0xa1: {  	s8 =	sadd.s32 $0x1, s8;
	[tilespmem:s17+$0x4000] =	vst v2  }
0xa2: {  	p0 =	sne.s32 s8, s5;
	[tilespmem:s17+$0x4010] =	vst v2  }
.Ltmp1:
0xa3: {  	[tilespmem:s17+$0x4020] =	vst v2;
	(pc) =	sbr.rel @p0 .LBB2_1-.Ltmp1, $4  }
0xa4: {  	[hbm4b:s4+s2] =	stream.linear.scatter [tilespmem:s7], [sflag:$0x1], $0x4000, $0x38;
	[tilespmem:$0x8000] =	vst v63  }
0xa5: {  	_ =	swait.ge [sflag:s6], $0x4000  }
0xa6: {  	[sflag:s6] =	ssyncset.done $0x0  }
0xa7: {  	[sflag:s6] =	ssyncadd.s32 $0xFFFFC000  }
0xa8: {  	_ =	sfence.sel $0x180000  }
0xa9: {  	[bflag:$0x0] =	sbarrier.arrive $0xFFFF  }
0xaa: {  	p0 =	sne.s32 s1, $0x0;
	_ =	strace $0x90000047  }
0xab: {  	s0 =	sadd.s32 @!p0 $0x100000, s0;
	[bflag:$0x2] =	sbarrier.arrive $0xFFFF  }
0xac: {  	[sflag:s0] =	ssyncadd.tile.s32 @!p0 $0x1;
	_ =	shalt  }
.Lfunc_end2:
_tile_overlayer_lowered:
.L_overlay_start_2:
0xad: {  	(tag) =	ssettag $0x2  }
0xae: {  	s0 =	rddreg [dreg:$0x0];
	s2 =	stileid.u32  }
0xaf: {  	s1 =	rddreg [dreg:$0x1];
	p0 =	sne.s32 s2, $0x0  }
0xb0: {  	s3 =	rddreg [dreg:$0x2];
	[bflag:$0x3] =	sbarrier.arrive $0xFFFF;
	s2 =	simm.s32 @!p0 $0x1C01  }
0xb1: {  	[timem:s3], [sflag:s2] =	dma.local @!p0 [hbm:s0], s1  }
0xb2: {  	s0 =	simm.s32 @!p0 $0x1  }
0xb3: {  	_ =	swait.ge @!p0 [sflag:s0], s1  }
0xb4: {  	s1 =	ssub.s32 @!p0 $0x0, s1;
	[sflag:s0] =	ssyncset.done @!p0 $0x0  }
0xb5: {  	[sflag:s0] =	ssyncadd.s32 @!p0 s1  }
0xb6: {  	[bflag:$0x3] =	sbarrier.arrive $0xFFFF  }
0xb7: {  	_ =	shalt  }

</sc_bundles>
